<compile_context>
chip_gen: v7x
topology: tpu7x:2x2x1
jax: 0.10.2.dev20260603
libtpu: 0.0.44.dev20260713+nightly
codegen_flags: <defaults>
</compile_context>

<pallas_src>
import functools

import jax
import jax.numpy as jnp
from jax import lax
from jax.experimental import pallas as pl
from jax.experimental.pallas import tpu as pltpu
from jax.experimental.pallas import tpu_sc as plsc

_N = 10000
_D = 128
_NP = 10240
_C = 96
_NCH = 212
_EPAD = 16 * _NCH * _C
_ET16 = _EPAD // 16
_ET32 = _EPAD // 32
_ROWS_T = _NP // 16

_MESH = plsc.VectorSubcoreMesh(
    core_axis_name="c", subcore_axis_name="s", num_cores=2, num_subcores=16
)



def _deg_body(dst_hbm, deg_hbm, dst_v, deg_v):
    c = lax.axis_index("c")
    s = lax.axis_index("s")
    w = c * 16 + s
    pltpu.sync_copy(dst_hbm.at[pl.ds(w * _ET32, _ET32)], dst_v)

    zeros = jnp.zeros((16,), jnp.float32)

    def zero_body(i, carry):
        deg_v[pl.ds(i * 16, 16)] = zeros
        return carry

    lax.fori_loop(0, _NP // 16, zero_body, 0)

    ones = jnp.ones((16,), jnp.float32)

    def add_body(i, carry):
        idx = dst_v[pl.ds(i * 16, 16)]
        plsc.addupdate_scatter(deg_v, [idx], ones)
        return carry

    lax.fori_loop(0, _ET32 // 16, add_body, 0)
    pltpu.sync_copy(deg_v, deg_hbm.at[w])


_deg_call = pl.kernel(
    _deg_body,
    out_type=jax.ShapeDtypeStruct((32, _NP), jnp.float32),
    mesh=_MESH,
    compiler_params=pltpu.CompilerParams(needs_layout_passes=False),
    scratch_types=[
        pltpu.VMEM((_ET32,), jnp.int32),
        pltpu.VMEM((_NP,), jnp.float32),
    ],
)



def _mm_body(x1_ref, x2_ref, w1_ref, w2_ref, dp_ref, hs_ref):
    deg = jnp.sum(dp_ref[...], axis=0) + 1.0
    dinv = lax.rsqrt(deg)[:, None]
    h1 = jnp.dot(x1_ref[...], w1_ref[...], preferred_element_type=jnp.float32)
    h2 = jnp.dot(x2_ref[...], w2_ref[...], preferred_element_type=jnp.float32)
    hs_ref[0] = h1 * dinv
    hs_ref[1] = h2 * dinv


_RB = 1024

_mm_call = pl.pallas_call(
    _mm_body,
    grid=(_NP // _RB,),
    in_specs=[
        pl.BlockSpec((_RB, _D), lambda i: (i, 0)),
        pl.BlockSpec((_RB, _D), lambda i: (i, 0)),
        pl.BlockSpec((_D, _D), lambda i: (0, 0)),
        pl.BlockSpec((_D, _D), lambda i: (0, 0)),
        pl.BlockSpec((32, _RB), lambda i: (0, i)),
    ],
    out_specs=pl.BlockSpec((2, _RB, _D), lambda i: (0, i, 0)),
    out_shape=jax.ShapeDtypeStruct((2, _NP, _D), jnp.float32),
)



def _agg_body(hs_hbm, spk_hbm, dpk_hbm, out_hbm,
              spk_v, dpk_v, srcb0, srcb1, dstb0, dstb1, rows0, rows1,
              gsem0, gsem1, acc):
    c = lax.axis_index("c")
    s = lax.axis_index("s")
    half = _C // 2
    wpt = _ET16 // 2
    hs_c = hs_hbm.at[c]
    srcb = (srcb0, srcb1)
    dstb = (dstb0, dstb1)
    rows = (rows0, rows1)
    gsems = (gsem0, gsem1)

    pltpu.sync_copy(spk_hbm.at[pl.ds(s * wpt, wpt)], spk_v)
    pltpu.sync_copy(dpk_hbm.at[pl.ds(s * wpt, wpt)], dpk_v)
    r0 = s * _ROWS_T
    pltpu.sync_copy(hs_c.at[pl.ds(r0, _ROWS_T)], acc.at[pl.ds(r0, _ROWS_T)])
    plsc.subcore_barrier()

    def unpack(j, b):
        for g in range(half // 16):
            w = spk_v[pl.ds(j * half + g * 16, 16)]
            srcb[b][pl.ds(g * 16, 16)] = w & 0xFFFF
            srcb[b][pl.ds(half + g * 16, 16)] = w >> 16
            w2 = dpk_v[pl.ds(j * half + g * 16, 16)]
            dstb[b][pl.ds(g * 16, 16)] = w2 & 0xFFFF
            dstb[b][pl.ds(half + g * 16, 16)] = w2 >> 16

    def gather_start(b):
        pltpu.async_copy(hs_c.at[srcb[b]], rows[b], gsems[b])

    def gather_wait(b):
        pltpu.make_async_copy(hs_c.at[srcb[b]], rows[b], gsems[b]).wait()

    def scatter(b):
        pltpu.sync_copy(rows[b], acc.at[dstb[b]], add=True)

    unpack(0, 0)
    gather_start(0)

    def body(i, carry):
        j0 = i * 2
        unpack(j0 + 1, 1)
        gather_start(1)
        gather_wait(0)
        scatter(0)

        @pl.when(j0 + 2 < _NCH)
        def _next():
            unpack(j0 + 2, 0)
            gather_start(0)

        gather_wait(1)
        scatter(1)
        return carry

    lax.fori_loop(0, _NCH // 2, body, 0)
    plsc.subcore_barrier()
    pltpu.sync_copy(acc.at[pl.ds(r0, _ROWS_T)],
                    out_hbm.at[c].at[pl.ds(r0, _ROWS_T)])


_agg_call = pl.kernel(
    _agg_body,
    out_type=jax.ShapeDtypeStruct((2, _NP, _D), jnp.float32),
    mesh=_MESH,
    compiler_params=pltpu.CompilerParams(needs_layout_passes=False),
    scratch_types=[
        pltpu.VMEM((_ET16 // 2,), jnp.int32),
        pltpu.VMEM((_ET16 // 2,), jnp.int32),
        pltpu.VMEM((_C,), jnp.int32),
        pltpu.VMEM((_C,), jnp.int32),
        pltpu.VMEM((_C,), jnp.int32),
        pltpu.VMEM((_C,), jnp.int32),
        pltpu.VMEM((_C, _D), jnp.float32),
        pltpu.VMEM((_C, _D), jnp.float32),
        pltpu.SemaphoreType.DMA,
        pltpu.SemaphoreType.DMA,
        pltpu.VMEM_SHARED((_NP, _D), jnp.float32),
    ],
)



def _out_body(agg_ref, dp_ref, b1_ref, b2_ref, o_ref):
    deg = jnp.sum(dp_ref[...], axis=0) + 1.0
    dinv = lax.rsqrt(deg)[:, None]
    h1 = jnp.maximum(agg_ref[0] * dinv + b1_ref[...], 0.0)
    h2 = jnp.maximum(agg_ref[1] * dinv + b2_ref[...], 0.0)
    x = h1 + h2
    m = jnp.max(x, axis=1, keepdims=True)
    e = jnp.exp(x - m)
    o_ref[...] = x - (jnp.log(jnp.sum(e, axis=1, keepdims=True)) + m)


_out_call = pl.pallas_call(
    _out_body,
    grid=(_NP // _RB,),
    in_specs=[
        pl.BlockSpec((2, _RB, _D), lambda i: (0, i, 0)),
        pl.BlockSpec((32, _RB), lambda i: (0, i)),
        pl.BlockSpec((1, _D), lambda i: (0, 0)),
        pl.BlockSpec((1, _D), lambda i: (0, 0)),
    ],
    out_specs=pl.BlockSpec((_RB, _D), lambda i: (i, 0)),
    out_shape=jax.ShapeDtypeStruct((_NP, _D), jnp.float32),
)


def kernel(x_modality1, x_modality2, edge_index, W1, b1, W2, b2):
    n = x_modality1.shape[0]
    e = edge_index.shape[1]
    pad_e = _EPAD - e
    src_p = jnp.concatenate(
        [edge_index[0], jnp.full((pad_e,), _N, jnp.int32)])
    dst_p = jnp.concatenate(
        [edge_index[1], jnp.full((pad_e,), _N, jnp.int32)])

    half = _C // 2
    def _pack16(a):
        ar = a.reshape(-1, 2, half)
        return (ar[:, 0, :] | (ar[:, 1, :] << 16)).reshape(-1)

    spk = _pack16(src_p)
    dpk = _pack16(dst_p)
    x1p = jnp.pad(x_modality1, ((0, _NP - n), (0, 0)))
    x2p = jnp.pad(x_modality2, ((0, _NP - n), (0, 0)))

    deg_parts = _deg_call(dst_p)
    hs = _mm_call(x1p, x2p, W1, W2, deg_parts)
    agg = _agg_call(hs, spk, dpk)
    out = _out_call(agg, deg_parts,
                    b1.reshape(1, _D), b2.reshape(1, _D))
    return out[:n]

# --- scband reference (transcript-rebuilt; emitter-appended) ---
"""Pipeline reference for scband-gcnmd-36335423324414 (READ-ONLY COPY).

The authoritative reference and input builder live on the scoring server;
editing this copy changes nothing except your own understanding.
"""

import jax, jax.numpy as jnp
import numpy as np

N = 10000
E = 320000
D_IN1 = 128
D_IN2 = 128
D_OUT = 128


def setup_inputs(seed: int = 0) -> dict:
    key = jax.random.key(seed)
    k1, k2, k3, k4, k5 = jax.random.split(key, 5)
    x_modality1 = jax.random.normal(k1, (N, D_IN1), dtype=jnp.float32)
    x_modality2 = jax.random.normal(k2, (N, D_IN2), dtype=jnp.float32)
    edge_index = jax.random.randint(k3, (2, E), 0, N, dtype=jnp.int32)
    W1 = jax.random.normal(k4, (D_IN1, D_OUT), dtype=jnp.float32) * (1.0 / np.sqrt(D_IN1))
    b1 = jnp.zeros((D_OUT,), dtype=jnp.float32)
    W2 = jax.random.normal(k5, (D_IN2, D_OUT), dtype=jnp.float32) * (1.0 / np.sqrt(D_IN2))
    b2 = jnp.zeros((D_OUT,), dtype=jnp.float32)
    return {"x_modality1": x_modality1, "x_modality2": x_modality2, "edge_index": edge_index,
            "W1": W1, "b1": b1, "W2": W2, "b2": b2}


def _gcn_conv(x, edge_index, W, b):
    # PyG GCNConv: linear transform, add self-loops, symmetric normalization, scatter-add aggregate
    src = edge_index[0]
    dst = edge_index[1]
    loop = jnp.arange(N, dtype=src.dtype)
    src = jnp.concatenate([src, loop])
    dst = jnp.concatenate([dst, loop])
    h = x @ W
    deg = jnp.zeros((N,), dtype=x.dtype).at[dst].add(1.0)
    deg_inv_sqrt = jax.lax.rsqrt(jnp.maximum(deg, 1e-12))
    deg_inv_sqrt = jnp.where(deg > 0, deg_inv_sqrt, 0.0)
    norm = deg_inv_sqrt[src] * deg_inv_sqrt[dst]
    msg = h[src] * norm[:, None]
    out = jnp.zeros((N, h.shape[1]), dtype=x.dtype).at[dst].add(msg)
    return out + b


def reference(x_modality1, x_modality2, edge_index, W1, b1, W2, b2):
    h1 = jax.nn.relu(_gcn_conv(x_modality1, edge_index, W1, b1))
    h2 = jax.nn.relu(_gcn_conv(x_modality2, edge_index, W2, b2))
    x_combined = h1 + h2
    return jax.nn.log_softmax(x_combined, axis=1)

if __name__ == "__main__":
    import jax
    _d = setup_inputs()
    print(jax.jit(kernel)(*tuple(_d.values())))

</pallas_src>

<mosaic_0001>
#map = affine_map<(d0, d1) -> (0)>
#map1 = affine_map<(d0, d1) -> (0, 0)>
module attributes {stable_mosaic.version = 14 : i64} {
  func.func @_deg_body(%arg0: i32, %arg1: i32, %arg2: memref<325632xi32, #tpu.memory_space<hbm>>, %arg3: memref<32x10240xf32, #tpu.memory_space<hbm>>, %arg4: memref<10176xi32, #tpu.memory_space<vmem>>, %arg5: memref<10240xf32, #tpu.memory_space<vmem>>) attributes {dimension_semantics = [#tpu.dimension_semantics<core_parallel>, #tpu.dimension_semantics<subcore_parallel>], iteration_bounds = array<i64: 2, 16>, scalar_prefetch = 0 : i64, scratch_operands = 2 : i64, tpu.core_type = #tpu.core_type<sc_vector_subcore>, window_params = [{transform_indices = #map}, {transform_indices = #map1}]} {
    %mul3A = arith.constant 16 : i32
    %mul3A_0 = arith.muli %arg0, %mul3A : i32
    %add3A = arith.addi %mul3A_0, %arg1 : i32
    %mul3A_1 = arith.constant 10176 : i32
    %mul3A_2 = arith.muli %add3A, %mul3A_1 : i32
    "tpu.region"() ({
      %run_scoped3A = tpu.sem_alloc : memref<!tpu.dma_semaphore, #tpu.memory_space<semaphore_mem>>
      %dma_start3A = tpu.memref_slice %arg2[%mul3A_2] : memref<325632xi32, #tpu.memory_space<hbm>> -> memref<10176xi32, #tpu.memory_space<hbm>>
      %dma_start3A_17 = tpu.memref_slice %arg2[%mul3A_2] : memref<325632xi32, #tpu.memory_space<hbm>> -> memref<10176xi32, #tpu.memory_space<hbm>>
      tpu.enqueue_dma source(%dma_start3A_17 : memref<10176xi32, #tpu.memory_space<hbm>>) target(%arg4 : memref<10176xi32, #tpu.memory_space<vmem>>) target_semaphore(%run_scoped3A : memref<!tpu.dma_semaphore, #tpu.memory_space<semaphore_mem>>)
      %dma_wait3A = tpu.memref_slice %arg2[%mul3A_2] : memref<325632xi32, #tpu.memory_space<hbm>> -> memref<10176xi32, #tpu.memory_space<hbm>>
      %dma_wait3A_18 = tpu.memref_slice %arg2[%mul3A_2] : memref<325632xi32, #tpu.memory_space<hbm>> -> memref<10176xi32, #tpu.memory_space<hbm>>
      tpu.wait_dma2 semaphore(%run_scoped3A : memref<!tpu.dma_semaphore, #tpu.memory_space<semaphore_mem>>) src(%dma_wait3A_18 : memref<10176xi32, #tpu.memory_space<hbm>>) dst(%arg4 : memref<10176xi32, #tpu.memory_space<vmem>>)
      tpu.yield
    }) : () -> ()
    %broadcast_in_dim3A = arith.constant 0.000000e+00 : f32
    %broadcast_in_dim3A_3 = vector.broadcast %broadcast_in_dim3A : f32 to vector<16xf32>
    %scan3A = arith.constant 0 : i32
    %scan3A_4 = arith.constant 0 : i32
    %scan3A_5 = arith.constant 640 : i32
    %scan3A_6 = arith.addi %scan3A_4, %scan3A_5 : i32
    %scan3A_7 = arith.constant 1 : i32
    scf.for %scan3A_17 = %scan3A_4 to %scan3A_6 step %scan3A_7  : i32 {
      %mul3A_18 = arith.constant 16 : i32
      %mul3A_19 = arith.muli %scan3A_17, %mul3A_18 : i32
      %swap3A = arith.index_cast %mul3A_19 : i32 to index
      %swap3A_20 = tpu.vector_load %arg5[%swap3A] {strides = array<i32>} : memref<10240xf32, #tpu.memory_space<vmem>>, vector<16xf32>,
      tpu.vector_store %arg5[%swap3A], %broadcast_in_dim3A_3 {strides = array<i32>} : memref<10240xf32, #tpu.memory_space<vmem>>, vector<16xf32>,
    }
    %scan3A_8 = arith.constant 640 : i32
    %broadcast_in_dim3A_9 = arith.constant 1.000000e+00 : f32
    %broadcast_in_dim3A_10 = vector.broadcast %broadcast_in_dim3A_9 : f32 to vector<16xf32>
    %scan3A_11 = arith.constant 0 : i32
    %scan3A_12 = arith.constant 0 : i32
    %scan3A_13 = arith.constant 636 : i32
    %scan3A_14 = arith.addi %scan3A_12, %scan3A_13 : i32
    %scan3A_15 = arith.constant 1 : i32
    scf.for %scan3A_17 = %scan3A_12 to %scan3A_14 step %scan3A_15  : i32 {
      %mul3A_18 = arith.constant 16 : i32
      %mul3A_19 = arith.muli %scan3A_17, %mul3A_18 : i32
      %get3A = arith.index_cast %mul3A_19 : i32 to index
      %get3A_20 = tpu.vector_load %arg4[%get3A] {strides = array<i32>} : memref<10176xi32, #tpu.memory_space<vmem>>, vector<16xi32>,
      tpu.vector_store_idx %arg5[%get3A_20], %broadcast_in_dim3A_10 {add = true} : memref<10240xf32, #tpu.memory_space<vmem>>[vector<16xi32>], vector<16xf32>,
    }
    %scan3A_16 = arith.constant 636 : i32
    "tpu.region"() ({
      %run_scoped3A = tpu.sem_alloc : memref<!tpu.dma_semaphore, #tpu.memory_space<semaphore_mem>>
      %dma_start3A = arith.constant 0 : i32
      %dma_start3A_17 = tpu.memref_slice %arg3[%add3A, %dma_start3A] : memref<32x10240xf32, #tpu.memory_space<hbm>> -> memref<1x10240xf32, #tpu.memory_space<hbm>>
      %dma_start3A_18 = tpu.memref_squeeze %dma_start3A_17 : memref<1x10240xf32, #tpu.memory_space<hbm>> -> memref<10240xf32, #tpu.memory_space<hbm>>
      %dma_start3A_19 = arith.constant 0 : i32
      %dma_start3A_20 = tpu.memref_slice %arg3[%add3A, %dma_start3A_19] : memref<32x10240xf32, #tpu.memory_space<hbm>> -> memref<1x10240xf32, #tpu.memory_space<hbm>>
      %dma_start3A_21 = tpu.memref_squeeze %dma_start3A_20 : memref<1x10240xf32, #tpu.memory_space<hbm>> -> memref<10240xf32, #tpu.memory_space<hbm>>
      tpu.enqueue_dma source(%arg5 : memref<10240xf32, #tpu.memory_space<vmem>>) target(%dma_start3A_21 : memref<10240xf32, #tpu.memory_space<hbm>>) target_semaphore(%run_scoped3A : memref<!tpu.dma_semaphore, #tpu.memory_space<semaphore_mem>>)
      %dma_wait3A = arith.constant 0 : i32
      %dma_wait3A_22 = tpu.memref_slice %arg3[%add3A, %dma_wait3A] : memref<32x10240xf32, #tpu.memory_space<hbm>> -> memref<1x10240xf32, #tpu.memory_space<hbm>>
      %dma_wait3A_23 = tpu.memref_squeeze %dma_wait3A_22 : memref<1x10240xf32, #tpu.memory_space<hbm>> -> memref<10240xf32, #tpu.memory_space<hbm>>
      %dma_wait3A_24 = arith.constant 0 : i32
      %dma_wait3A_25 = tpu.memref_slice %arg3[%add3A, %dma_wait3A_24] : memref<32x10240xf32, #tpu.memory_space<hbm>> -> memref<1x10240xf32, #tpu.memory_space<hbm>>
      %dma_wait3A_26 = tpu.memref_squeeze %dma_wait3A_25 : memref<1x10240xf32, #tpu.memory_space<hbm>> -> memref<10240xf32, #tpu.memory_space<hbm>>
      tpu.wait_dma2 semaphore(%run_scoped3A : memref<!tpu.dma_semaphore, #tpu.memory_space<semaphore_mem>>) src(%arg5 : memref<10240xf32, #tpu.memory_space<vmem>>) dst(%dma_wait3A_26 : memref<10240xf32, #tpu.memory_space<hbm>>)
      tpu.yield
    }) : () -> ()
    return
  }
}

#map = affine_map<(d0, d1) -> (0, 0, 0)>
#map1 = affine_map<(d0, d1) -> (0)>
module attributes {stable_mosaic.version = 14 : i64} {
  func.func @_agg_body(%arg0: i32, %arg1: i32, %arg2: memref<2x10240x128xf32, #tpu.memory_space<hbm>>, %arg3: memref<162816xi32, #tpu.memory_space<hbm>>, %arg4: memref<162816xi32, #tpu.memory_space<hbm>>, %arg5: memref<2x10240x128xf32, #tpu.memory_space<hbm>>, %arg6: memref<10176xi32, #tpu.memory_space<vmem>>, %arg7: memref<10176xi32, #tpu.memory_space<vmem>>, %arg8: memref<96xi32, #tpu.memory_space<vmem>>, %arg9: memref<96xi32, #tpu.memory_space<vmem>>, %arg10: memref<96xi32, #tpu.memory_space<vmem>>, %arg11: memref<96xi32, #tpu.memory_space<vmem>>, %arg12: memref<96x128xf32, #tpu.memory_space<vmem>>, %arg13: memref<96x128xf32, #tpu.memory_space<vmem>>, %arg14: memref<!tpu.dma_semaphore, #tpu.memory_space<semaphore_mem>>, %arg15: memref<!tpu.dma_semaphore, #tpu.memory_space<semaphore_mem>>, %arg16: memref<10240x128xf32, #tpu.memory_space<vmem_shared>>) attributes {dimension_semantics = [#tpu.dimension_semantics<core_parallel>, #tpu.dimension_semantics<subcore_parallel>], iteration_bounds = array<i64: 2, 16>, scalar_prefetch = 0 : i64, scratch_operands = 11 : i64, tpu.core_type = #tpu.core_type<sc_vector_subcore>, window_params = [{transform_indices = #map}, {transform_indices = #map1}, {transform_indices = #map1}, {transform_indices = #map}]} {
    %mul3A = arith.constant 10176 : i32
    %mul3A_0 = arith.muli %arg1, %mul3A : i32
    "tpu.region"() ({
      %run_scoped3A = tpu.sem_alloc : memref<!tpu.dma_semaphore, #tpu.memory_space<semaphore_mem>>
      %dma_start3A_85 = tpu.memref_slice %arg3[%mul3A_0] : memref<162816xi32, #tpu.memory_space<hbm>> -> memref<10176xi32, #tpu.memory_space<hbm>>
      %dma_start3A_86 = tpu.memref_slice %arg3[%mul3A_0] : memref<162816xi32, #tpu.memory_space<hbm>> -> memref<10176xi32, #tpu.memory_space<hbm>>
      tpu.enqueue_dma source(%dma_start3A_86 : memref<10176xi32, #tpu.memory_space<hbm>>) target(%arg6 : memref<10176xi32, #tpu.memory_space<vmem>>) target_semaphore(%run_scoped3A : memref<!tpu.dma_semaphore, #tpu.memory_space<semaphore_mem>>)
      %dma_wait3A = tpu.memref_slice %arg3[%mul3A_0] : memref<162816xi32, #tpu.memory_space<hbm>> -> memref<10176xi32, #tpu.memory_space<hbm>>
      %dma_wait3A_87 = tpu.memref_slice %arg3[%mul3A_0] : memref<162816xi32, #tpu.memory_space<hbm>> -> memref<10176xi32, #tpu.memory_space<hbm>>
      tpu.wait_dma2 semaphore(%run_scoped3A : memref<!tpu.dma_semaphore, #tpu.memory_space<semaphore_mem>>) src(%dma_wait3A_87 : memref<10176xi32, #tpu.memory_space<hbm>>) dst(%arg6 : memref<10176xi32, #tpu.memory_space<vmem>>)
      tpu.yield
    }) : () -> ()
    %mul3A_1 = arith.constant 10176 : i32
    %mul3A_2 = arith.muli %arg1, %mul3A_1 : i32
    "tpu.region"() ({
      %run_scoped3A = tpu.sem_alloc : memref<!tpu.dma_semaphore, #tpu.memory_space<semaphore_mem>>
      %dma_start3A_85 = tpu.memref_slice %arg4[%mul3A_2] : memref<162816xi32, #tpu.memory_space<hbm>> -> memref<10176xi32, #tpu.memory_space<hbm>>
      %dma_start3A_86 = tpu.memref_slice %arg4[%mul3A_2] : memref<162816xi32, #tpu.memory_space<hbm>> -> memref<10176xi32, #tpu.memory_space<hbm>>
      tpu.enqueue_dma source(%dma_start3A_86 : memref<10176xi32, #tpu.memory_space<hbm>>) target(%arg7 : memref<10176xi32, #tpu.memory_space<vmem>>) target_semaphore(%run_scoped3A : memref<!tpu.dma_semaphore, #tpu.memory_space<semaphore_mem>>)
      %dma_wait3A = tpu.memref_slice %arg4[%mul3A_2] : memref<162816xi32, #tpu.memory_space<hbm>> -> memref<10176xi32, #tpu.memory_space<hbm>>
      %dma_wait3A_87 = tpu.memref_slice %arg4[%mul3A_2] : memref<162816xi32, #tpu.memory_space<hbm>> -> memref<10176xi32, #tpu.memory_space<hbm>>
      tpu.wait_dma2 semaphore(%run_scoped3A : memref<!tpu.dma_semaphore, #tpu.memory_space<semaphore_mem>>) src(%dma_wait3A_87 : memref<10176xi32, #tpu.memory_space<hbm>>) dst(%arg7 : memref<10176xi32, #tpu.memory_space<vmem>>)
      tpu.yield
    }) : () -> ()
    %mul3A_3 = arith.constant 640 : i32
    %mul3A_4 = arith.muli %arg1, %mul3A_3 : i32
    "tpu.region"() ({
      %run_scoped3A = tpu.sem_alloc : memref<!tpu.dma_semaphore, #tpu.memory_space<semaphore_mem>>
      %dma_start3A_85 = arith.constant 0 : i32
      %dma_start3A_86 = tpu.memref_slice %arg16[%mul3A_4, %dma_start3A_85] : memref<10240x128xf32, #tpu.memory_space<vmem_shared>> -> memref<640x128xf32, #tpu.memory_space<vmem_shared>>
      %dma_start3A_87 = arith.constant 0 : i32
      %dma_start3A_88 = arith.constant 0 : i32
      %dma_start3A_89 = tpu.memref_slice %arg2[%arg0, %dma_start3A_87, %dma_start3A_88] : memref<2x10240x128xf32, #tpu.memory_space<hbm>> -> memref<1x10240x128xf32, #tpu.memory_space<hbm>>
      %dma_start3A_90 = tpu.memref_squeeze %dma_start3A_89 : memref<1x10240x128xf32, #tpu.memory_space<hbm>> -> memref<10240x128xf32, #tpu.memory_space<hbm>>
      %dma_start3A_91 = arith.constant 0 : i32
      %dma_start3A_92 = tpu.memref_slice %dma_start3A_90[%mul3A_4, %dma_start3A_91] : memref<10240x128xf32, #tpu.memory_space<hbm>> -> memref<640x128xf32, #tpu.memory_space<hbm>>
      tpu.enqueue_dma source(%dma_start3A_92 : memref<640x128xf32, #tpu.memory_space<hbm>>) target(%dma_start3A_86 : memref<640x128xf32, #tpu.memory_space<vmem_shared>>) target_semaphore(%run_scoped3A : memref<!tpu.dma_semaphore, #tpu.memory_space<semaphore_mem>>)
      %dma_wait3A = arith.constant 0 : i32
      %dma_wait3A_93 = tpu.memref_slice %arg16[%mul3A_4, %dma_wait3A] : memref<10240x128xf32, #tpu.memory_space<vmem_shared>> -> memref<640x128xf32, #tpu.memory_space<vmem_shared>>
      %dma_wait3A_94 = arith.constant 0 : i32
      %dma_wait3A_95 = arith.constant 0 : i32
      %dma_wait3A_96 = tpu.memref_slice %arg2[%arg0, %dma_wait3A_94, %dma_wait3A_95] : memref<2x10240x128xf32, #tpu.memory_space<hbm>> -> memref<1x10240x128xf32, #tpu.memory_space<hbm>>
      %dma_wait3A_97 = tpu.memref_squeeze %dma_wait3A_96 : memref<1x10240x128xf32, #tpu.memory_space<hbm>> -> memref<10240x128xf32, #tpu.memory_space<hbm>>
      %dma_wait3A_98 = arith.constant 0 : i32
      %dma_wait3A_99 = tpu.memref_slice %dma_wait3A_97[%mul3A_4, %dma_wait3A_98] : memref<10240x128xf32, #tpu.memory_space<hbm>> -> memref<640x128xf32, #tpu.memory_space<hbm>>
      tpu.wait_dma2 semaphore(%run_scoped3A : memref<!tpu.dma_semaphore, #tpu.memory_space<semaphore_mem>>) src(%dma_wait3A_99 : memref<640x128xf32, #tpu.memory_space<hbm>>) dst(%dma_wait3A_93 : memref<640x128xf32, #tpu.memory_space<vmem_shared>>)
      tpu.yield
    }) : () -> ()
    %barrier3A = arith.constant 0 : index
    tpu.barrier barrier_id(%barrier3A)
    %get3A = arith.constant 0 : index
    %get3A_5 = tpu.vector_load %arg6[%get3A] {strides = array<i32>} : memref<10176xi32, #tpu.memory_space<vmem>>, vector<16xi32>,
    %and3A = arith.constant 65535 : i32
    %and3A_6 = vector.broadcast %and3A : i32 to vector<16xi32>
    %and3A_7 = arith.andi %get3A_5, %and3A_6 : vector<16xi32>
    %swap3A = arith.constant 0 : index
    %swap3A_8 = tpu.vector_load %arg8[%swap3A] {strides = array<i32>} : memref<96xi32, #tpu.memory_space<vmem>>, vector<16xi32>,
    tpu.vector_store %arg8[%swap3A], %and3A_7 {strides = array<i32>} : memref<96xi32, #tpu.memory_space<vmem>>, vector<16xi32>,
    %shift_right_arithmetic3A = arith.constant 16 : i32
    %shift_right_arithmetic3A_9 = vector.broadcast %shift_right_arithmetic3A : i32 to vector<16xi32>
    %shift_right_arithmetic3A_10 = arith.shrsi %get3A_5, %shift_right_arithmetic3A_9 : vector<16xi32>
    %swap3A_11 = arith.constant 48 : index
    %swap3A_12 = tpu.vector_load %arg8[%swap3A_11] {strides = array<i32>} : memref<96xi32, #tpu.memory_space<vmem>>, vector<16xi32>,
    tpu.vector_store %arg8[%swap3A_11], %shift_right_arithmetic3A_10 {strides = array<i32>} : memref<96xi32, #tpu.memory_space<vmem>>, vector<16xi32>,
    %get3A_13 = arith.constant 0 : index
    %get3A_14 = tpu.vector_load %arg7[%get3A_13] {strides = array<i32>} : memref<10176xi32, #tpu.memory_space<vmem>>, vector<16xi32>,
    %and3A_15 = arith.constant 65535 : i32
    %and3A_16 = vector.broadcast %and3A_15 : i32 to vector<16xi32>
    %and3A_17 = arith.andi %get3A_14, %and3A_16 : vector<16xi32>
    %swap3A_18 = arith.constant 0 : index
    %swap3A_19 = tpu.vector_load %arg10[%swap3A_18] {strides = array<i32>} : memref<96xi32, #tpu.memory_space<vmem>>, vector<16xi32>,
    tpu.vector_store %arg10[%swap3A_18], %and3A_17 {strides = array<i32>} : memref<96xi32, #tpu.memory_space<vmem>>, vector<16xi32>,
    %shift_right_arithmetic3A_20 = arith.constant 16 : i32
    %shift_right_arithmetic3A_21 = vector.broadcast %shift_right_arithmetic3A_20 : i32 to vector<16xi32>
    %shift_right_arithmetic3A_22 = arith.shrsi %get3A_14, %shift_right_arithmetic3A_21 : vector<16xi32>
    %swap3A_23 = arith.constant 48 : index
    %swap3A_24 = tpu.vector_load %arg10[%swap3A_23] {strides = array<i32>} : memref<96xi32, #tpu.memory_space<vmem>>, vector<16xi32>,
    tpu.vector_store %arg10[%swap3A_23], %shift_right_arithmetic3A_22 {strides = array<i32>} : memref<96xi32, #tpu.memory_space<vmem>>, vector<16xi32>,
    %get3A_25 = arith.constant 16 : index
    %get3A_26 = tpu.vector_load %arg6[%get3A_25] {strides = array<i32>} : memref<10176xi32, #tpu.memory_space<vmem>>, vector<16xi32>,
    %and3A_27 = arith.constant 65535 : i32
    %and3A_28 = vector.broadcast %and3A_27 : i32 to vector<16xi32>
    %and3A_29 = arith.andi %get3A_26, %and3A_28 : vector<16xi32>
    %swap3A_30 = arith.constant 16 : index
    %swap3A_31 = tpu.vector_load %arg8[%swap3A_30] {strides = array<i32>} : memref<96xi32, #tpu.memory_space<vmem>>, vector<16xi32>,
    tpu.vector_store %arg8[%swap3A_30], %and3A_29 {strides = array<i32>} : memref<96xi32, #tpu.memory_space<vmem>>, vector<16xi32>,
    %shift_right_arithmetic3A_32 = arith.constant 16 : i32
    %shift_right_arithmetic3A_33 = vector.broadcast %shift_right_arithmetic3A_32 : i32 to vector<16xi32>
    %shift_right_arithmetic3A_34 = arith.shrsi %get3A_26, %shift_right_arithmetic3A_33 : vector<16xi32>
    %swap3A_35 = arith.constant 64 : index
    %swap3A_36 = tpu.vector_load %arg8[%swap3A_35] {strides = array<i32>} : memref<96xi32, #tpu.memory_space<vmem>>, vector<16xi32>,
    tpu.vector_store %arg8[%swap3A_35], %shift_right_arithmetic3A_34 {strides = array<i32>} : memref<96xi32, #tpu.memory_space<vmem>>, vector<16xi32>,
    %get3A_37 = arith.constant 16 : index
    %get3A_38 = tpu.vector_load %arg7[%get3A_37] {strides = array<i32>} : memref<10176xi32, #tpu.memory_space<vmem>>, vector<16xi32>,
    %and3A_39 = arith.constant 65535 : i32
    %and3A_40 = vector.broadcast %and3A_39 : i32 to vector<16xi32>
    %and3A_41 = arith.andi %get3A_38, %and3A_40 : vector<16xi32>
    %swap3A_42 = arith.constant 16 : index
    %swap3A_43 = tpu.vector_load %arg10[%swap3A_42] {strides = array<i32>} : memref<96xi32, #tpu.memory_space<vmem>>, vector<16xi32>,
    tpu.vector_store %arg10[%swap3A_42], %and3A_41 {strides = array<i32>} : memref<96xi32, #tpu.memory_space<vmem>>, vector<16xi32>,
    %shift_right_arithmetic3A_44 = arith.constant 16 : i32
    %shift_right_arithmetic3A_45 = vector.broadcast %shift_right_arithmetic3A_44 : i32 to vector<16xi32>
    %shift_right_arithmetic3A_46 = arith.shrsi %get3A_38, %shift_right_arithmetic3A_45 : vector<16xi32>
    %swap3A_47 = arith.constant 64 : index
    %swap3A_48 = tpu.vector_load %arg10[%swap3A_47] {strides = array<i32>} : memref<96xi32, #tpu.memory_space<vmem>>, vector<16xi32>,
    tpu.vector_store %arg10[%swap3A_47], %shift_right_arithmetic3A_46 {strides = array<i32>} : memref<96xi32, #tpu.memory_space<vmem>>, vector<16xi32>,
    %get3A_49 = arith.constant 32 : index
    %get3A_50 = tpu.vector_load %arg6[%get3A_49] {strides = array<i32>} : memref<10176xi32, #tpu.memory_space<vmem>>, vector<16xi32>,
    %and3A_51 = arith.constant 65535 : i32
    %and3A_52 = vector.broadcast %and3A_51 : i32 to vector<16xi32>
    %and3A_53 = arith.andi %get3A_50, %and3A_52 : vector<16xi32>
    %swap3A_54 = arith.constant 32 : index
    %swap3A_55 = tpu.vector_load %arg8[%swap3A_54] {strides = array<i32>} : memref<96xi32, #tpu.memory_space<vmem>>, vector<16xi32>,
    tpu.vector_store %arg8[%swap3A_54], %and3A_53 {strides = array<i32>} : memref<96xi32, #tpu.memory_space<vmem>>, vector<16xi32>,
    %shift_right_arithmetic3A_56 = arith.constant 16 : i32
    %shift_right_arithmetic3A_57 = vector.broadcast %shift_right_arithmetic3A_56 : i32 to vector<16xi32>
    %shift_right_arithmetic3A_58 = arith.shrsi %get3A_50, %shift_right_arithmetic3A_57 : vector<16xi32>
    %swap3A_59 = arith.constant 80 : index
    %swap3A_60 = tpu.vector_load %arg8[%swap3A_59] {strides = array<i32>} : memref<96xi32, #tpu.memory_space<vmem>>, vector<16xi32>,
    tpu.vector_store %arg8[%swap3A_59], %shift_right_arithmetic3A_58 {strides = array<i32>} : memref<96xi32, #tpu.memory_space<vmem>>, vector<16xi32>,
    %get3A_61 = arith.constant 32 : index
    %get3A_62 = tpu.vector_load %arg7[%get3A_61] {strides = array<i32>} : memref<10176xi32, #tpu.memory_space<vmem>>, vector<16xi32>,
    %and3A_63 = arith.constant 65535 : i32
    %and3A_64 = vector.broadcast %and3A_63 : i32 to vector<16xi32>
    %and3A_65 = arith.andi %get3A_62, %and3A_64 : vector<16xi32>
    %swap3A_66 = arith.constant 32 : index
    %swap3A_67 = tpu.vector_load %arg10[%swap3A_66] {strides = array<i32>} : memref<96xi32, #tpu.memory_space<vmem>>, vector<16xi32>,
    tpu.vector_store %arg10[%swap3A_66], %and3A_65 {strides = array<i32>} : memref<96xi32, #tpu.memory_space<vmem>>, vector<16xi32>,
    %shift_right_arithmetic3A_68 = arith.constant 16 : i32
    %shift_right_arithmetic3A_69 = vector.broadcast %shift_right_arithmetic3A_68 : i32 to vector<16xi32>
    %shift_right_arithmetic3A_70 = arith.shrsi %get3A_62, %shift_right_arithmetic3A_69 : vector<16xi32>
    %swap3A_71 = arith.constant 80 : index
    %swap3A_72 = tpu.vector_load %arg10[%swap3A_71] {strides = array<i32>} : memref<96xi32, #tpu.memory_space<vmem>>, vector<16xi32>,
    tpu.vector_store %arg10[%swap3A_71], %shift_right_arithmetic3A_70 {strides = array<i32>} : memref<96xi32, #tpu.memory_space<vmem>>, vector<16xi32>,
    %dma_start3A = arith.constant 0 : i32
    %dma_start3A_73 = arith.constant 0 : i32
    %dma_start3A_74 = tpu.memref_slice %arg2[%arg0, %dma_start3A, %dma_start3A_73] : memref<2x10240x128xf32, #tpu.memory_space<hbm>> -> memref<1x10240x128xf32, #tpu.memory_space<hbm>>
    %dma_start3A_75 = tpu.memref_squeeze %dma_start3A_74 : memref<1x10240x128xf32, #tpu.memory_space<hbm>> -> memref<10240x128xf32, #tpu.memory_space<hbm>>
    %dma_start3A_76 = arith.constant 0 : i32
    %dma_start3A_77 = arith.constant 0 : i32
    %dma_start3A_78 = tpu.memref_slice %dma_start3A_75[%dma_start3A_76, %dma_start3A_77] : memref<10240x128xf32, #tpu.memory_space<hbm>> -> memref<10240x128xf32, #tpu.memory_space<hbm>>
    tpu.enqueue_indirect_dma source(%dma_start3A_78 : memref<10240x128xf32, #tpu.memory_space<hbm>>) target(%arg12 : memref<96x128xf32, #tpu.memory_space<vmem>>) offsets(%arg8 : memref<96xi32, #tpu.memory_space<vmem>>) semaphore(%arg14 : memref<!tpu.dma_semaphore, #tpu.memory_space<semaphore_mem>>)
    %scan3A = arith.constant 0 : i32
    %scan3A_79 = arith.constant 0 : i32
    %scan3A_80 = arith.constant 106 : i32
    %scan3A_81 = arith.addi %scan3A_79, %scan3A_80 : i32
    %scan3A_82 = arith.constant 1 : i32
    scf.for %scan3A_85 = %scan3A_79 to %scan3A_81 step %scan3A_82  : i32 {
      %mul3A_86 = arith.constant 2 : i32
      %mul3A_87 = arith.muli %scan3A_85, %mul3A_86 : i32
      %add3A = arith.constant 1 : i32
      %add3A_88 = arith.addi %mul3A_87, %add3A : i32
      %mul3A_89 = arith.constant 48 : i32
      %mul3A_90 = arith.muli %add3A_88, %mul3A_89 : i32
      %add3A_91 = arith.constant 0 : i32
      %add3A_92 = arith.addi %mul3A_90, %add3A_91 : i32
      %get3A_93 = arith.index_cast %add3A_92 : i32 to index
      %get3A_94 = tpu.vector_load %arg6[%get3A_93] {strides = array<i32>} : memref<10176xi32, #tpu.memory_space<vmem>>, vector<16xi32>,
      %and3A_95 = arith.constant 65535 : i32
      %and3A_96 = vector.broadcast %and3A_95 : i32 to vector<16xi32>
      %and3A_97 = arith.andi %get3A_94, %and3A_96 : vector<16xi32>
      %swap3A_98 = arith.constant 0 : index
      %swap3A_99 = tpu.vector_load %arg9[%swap3A_98] {strides = array<i32>} : memref<96xi32, #tpu.memory_space<vmem>>, vector<16xi32>,
      tpu.vector_store %arg9[%swap3A_98], %and3A_97 {strides = array<i32>} : memref<96xi32, #tpu.memory_space<vmem>>, vector<16xi32>,
      %shift_right_arithmetic3A_100 = arith.constant 16 : i32
      %shift_right_arithmetic3A_101 = vector.broadcast %shift_right_arithmetic3A_100 : i32 to vector<16xi32>
      %shift_right_arithmetic3A_102 = arith.shrsi %get3A_94, %shift_right_arithmetic3A_101 : vector<16xi32>
      %swap3A_103 = arith.constant 48 : index
      %swap3A_104 = tpu.vector_load %arg9[%swap3A_103] {strides = array<i32>} : memref<96xi32, #tpu.memory_space<vmem>>, vector<16xi32>,
      tpu.vector_store %arg9[%swap3A_103], %shift_right_arithmetic3A_102 {strides = array<i32>} : memref<96xi32, #tpu.memory_space<vmem>>, vector<16xi32>,
      %mul3A_105 = arith.constant 48 : i32
      %mul3A_106 = arith.muli %add3A_88, %mul3A_105 : i32
      %add3A_107 = arith.constant 0 : i32
      %add3A_108 = arith.addi %mul3A_106, %add3A_107 : i32
      %get3A_109 = arith.index_cast %add3A_108 : i32 to index
      %get3A_110 = tpu.vector_load %arg7[%get3A_109] {strides = array<i32>} : memref<10176xi32, #tpu.memory_space<vmem>>, vector<16xi32>,
      %and3A_111 = arith.constant 65535 : i32
      %and3A_112 = vector.broadcast %and3A_111 : i32 to vector<16xi32>
      %and3A_113 = arith.andi %get3A_110, %and3A_112 : vector<16xi32>
      %swap3A_114 = arith.constant 0 : index
      %swap3A_115 = tpu.vector_load %arg11[%swap3A_114] {strides = array<i32>} : memref<96xi32, #tpu.memory_space<vmem>>, vector<16xi32>,
      tpu.vector_store %arg11[%swap3A_114], %and3A_113 {strides = array<i32>} : memref<96xi32, #tpu.memory_space<vmem>>, vector<16xi32>,
      %shift_right_arithmetic3A_116 = arith.constant 16 : i32
      %shift_right_arithmetic3A_117 = vector.broadcast %shift_right_arithmetic3A_116 : i32 to vector<16xi32>
      %shift_right_arithmetic3A_118 = arith.shrsi %get3A_110, %shift_right_arithmetic3A_117 : vector<16xi32>
      %swap3A_119 = arith.constant 48 : index
      %swap3A_120 = tpu.vector_load %arg11[%swap3A_119] {strides = array<i32>} : memref<96xi32, #tpu.memory_space<vmem>>, vector<16xi32>,
      tpu.vector_store %arg11[%swap3A_119], %shift_right_arithmetic3A_118 {strides = array<i32>} : memref<96xi32, #tpu.memory_space<vmem>>, vector<16xi32>,
      %mul3A_121 = arith.constant 48 : i32
      %mul3A_122 = arith.muli %add3A_88, %mul3A_121 : i32
      %add3A_123 = arith.constant 16 : i32
      %add3A_124 = arith.addi %mul3A_122, %add3A_123 : i32
      %get3A_125 = arith.index_cast %add3A_124 : i32 to index
      %get3A_126 = tpu.vector_load %arg6[%get3A_125] {strides = array<i32>} : memref<10176xi32, #tpu.memory_space<vmem>>, vector<16xi32>,
      %and3A_127 = arith.constant 65535 : i32
      %and3A_128 = vector.broadcast %and3A_127 : i32 to vector<16xi32>
      %and3A_129 = arith.andi %get3A_126, %and3A_128 : vector<16xi32>
      %swap3A_130 = arith.constant 16 : index
      %swap3A_131 = tpu.vector_load %arg9[%swap3A_130] {strides = array<i32>} : memref<96xi32, #tpu.memory_space<vmem>>, vector<16xi32>,
      tpu.vector_store %arg9[%swap3A_130], %and3A_129 {strides = array<i32>} : memref<96xi32, #tpu.memory_space<vmem>>, vector<16xi32>,
      %shift_right_arithmetic3A_132 = arith.constant 16 : i32
      %shift_right_arithmetic3A_133 = vector.broadcast %shift_right_arithmetic3A_132 : i32 to vector<16xi32>
      %shift_right_arithmetic3A_134 = arith.shrsi %get3A_126, %shift_right_arithmetic3A_133 : vector<16xi32>
      %swap3A_135 = arith.constant 64 : index
      %swap3A_136 = tpu.vector_load %arg9[%swap3A_135] {strides = array<i32>} : memref<96xi32, #tpu.memory_space<vmem>>, vector<16xi32>,
      tpu.vector_store %arg9[%swap3A_135], %shift_right_arithmetic3A_134 {strides = array<i32>} : memref<96xi32, #tpu.memory_space<vmem>>, vector<16xi32>,
      %mul3A_137 = arith.constant 48 : i32
      %mul3A_138 = arith.muli %add3A_88, %mul3A_137 : i32
      %add3A_139 = arith.constant 16 : i32
      %add3A_140 = arith.addi %mul3A_138, %add3A_139 : i32
      %get3A_141 = arith.index_cast %add3A_140 : i32 to index
      %get3A_142 = tpu.vector_load %arg7[%get3A_141] {strides = array<i32>} : memref<10176xi32, #tpu.memory_space<vmem>>, vector<16xi32>,
      %and3A_143 = arith.constant 65535 : i32
      %and3A_144 = vector.broadcast %and3A_143 : i32 to vector<16xi32>
      %and3A_145 = arith.andi %get3A_142, %and3A_144 : vector<16xi32>
      %swap3A_146 = arith.constant 16 : index
      %swap3A_147 = tpu.vector_load %arg11[%swap3A_146] {strides = array<i32>} : memref<96xi32, #tpu.memory_space<vmem>>, vector<16xi32>,
      tpu.vector_store %arg11[%swap3A_146], %and3A_145 {strides = array<i32>} : memref<96xi32, #tpu.memory_space<vmem>>, vector<16xi32>,
      %shift_right_arithmetic3A_148 = arith.constant 16 : i32
      %shift_right_arithmetic3A_149 = vector.broadcast %shift_right_arithmetic3A_148 : i32 to vector<16xi32>
      %shift_right_arithmetic3A_150 = arith.shrsi %get3A_142, %shift_right_arithmetic3A_149 : vector<16xi32>
      %swap3A_151 = arith.constant 64 : index
      %swap3A_152 = tpu.vector_load %arg11[%swap3A_151] {strides = array<i32>} : memref<96xi32, #tpu.memory_space<vmem>>, vector<16xi32>,
      tpu.vector_store %arg11[%swap3A_151], %shift_right_arithmetic3A_150 {strides = array<i32>} : memref<96xi32, #tpu.memory_space<vmem>>, vector<16xi32>,
      %mul3A_153 = arith.constant 48 : i32
      %mul3A_154 = arith.muli %add3A_88, %mul3A_153 : i32
      %add3A_155 = arith.constant 32 : i32
      %add3A_156 = arith.addi %mul3A_154, %add3A_155 : i32
      %get3A_157 = arith.index_cast %add3A_156 : i32 to index
      %get3A_158 = tpu.vector_load %arg6[%get3A_157] {strides = array<i32>} : memref<10176xi32, #tpu.memory_space<vmem>>, vector<16xi32>,
      %and3A_159 = arith.constant 65535 : i32
      %and3A_160 = vector.broadcast %and3A_159 : i32 to vector<16xi32>
      %and3A_161 = arith.andi %get3A_158, %and3A_160 : vector<16xi32>
      %swap3A_162 = arith.constant 32 : index
      %swap3A_163 = tpu.vector_load %arg9[%swap3A_162] {strides = array<i32>} : memref<96xi32, #tpu.memory_space<vmem>>, vector<16xi32>,
      tpu.vector_store %arg9[%swap3A_162], %and3A_161 {strides = array<i32>} : memref<96xi32, #tpu.memory_space<vmem>>, vector<16xi32>,
      %shift_right_arithmetic3A_164 = arith.constant 16 : i32
      %shift_right_arithmetic3A_165 = vector.broadcast %shift_right_arithmetic3A_164 : i32 to vector<16xi32>
      %shift_right_arithmetic3A_166 = arith.shrsi %get3A_158, %shift_right_arithmetic3A_165 : vector<16xi32>
      %swap3A_167 = arith.constant 80 : index
      %swap3A_168 = tpu.vector_load %arg9[%swap3A_167] {strides = array<i32>} : memref<96xi32, #tpu.memory_space<vmem>>, vector<16xi32>,
      tpu.vector_store %arg9[%swap3A_167], %shift_right_arithmetic3A_166 {strides = array<i32>} : memref<96xi32, #tpu.memory_space<vmem>>, vector<16xi32>,
      %mul3A_169 = arith.constant 48 : i32
      %mul3A_170 = arith.muli %add3A_88, %mul3A_169 : i32
      %add3A_171 = arith.constant 32 : i32
      %add3A_172 = arith.addi %mul3A_170, %add3A_171 : i32
      %get3A_173 = arith.index_cast %add3A_172 : i32 to index
      %get3A_174 = tpu.vector_load %arg7[%get3A_173] {strides = array<i32>} : memref<10176xi32, #tpu.memory_space<vmem>>, vector<16xi32>,
      %and3A_175 = arith.constant 65535 : i32
      %and3A_176 = vector.broadcast %and3A_175 : i32 to vector<16xi32>
      %and3A_177 = arith.andi %get3A_174, %and3A_176 : vector<16xi32>
      %swap3A_178 = arith.constant 32 : index
      %swap3A_179 = tpu.vector_load %arg11[%swap3A_178] {strides = array<i32>} : memref<96xi32, #tpu.memory_space<vmem>>, vector<16xi32>,
      tpu.vector_store %arg11[%swap3A_178], %and3A_177 {strides = array<i32>} : memref<96xi32, #tpu.memory_space<vmem>>, vector<16xi32>,
      %shift_right_arithmetic3A_180 = arith.constant 16 : i32
      %shift_right_arithmetic3A_181 = vector.broadcast %shift_right_arithmetic3A_180 : i32 to vector<16xi32>
      %shift_right_arithmetic3A_182 = arith.shrsi %get3A_174, %shift_right_arithmetic3A_181 : vector<16xi32>
      %swap3A_183 = arith.constant 80 : index
      %swap3A_184 = tpu.vector_load %arg11[%swap3A_183] {strides = array<i32>} : memref<96xi32, #tpu.memory_space<vmem>>, vector<16xi32>,
      tpu.vector_store %arg11[%swap3A_183], %shift_right_arithmetic3A_182 {strides = array<i32>} : memref<96xi32, #tpu.memory_space<vmem>>, vector<16xi32>,
      %dma_start3A_185 = arith.constant 0 : i32
      %dma_start3A_186 = arith.constant 0 : i32
      %dma_start3A_187 = tpu.memref_slice %arg2[%arg0, %dma_start3A_185, %dma_start3A_186] : memref<2x10240x128xf32, #tpu.memory_space<hbm>> -> memref<1x10240x128xf32, #tpu.memory_space<hbm>>
      %dma_start3A_188 = tpu.memref_squeeze %dma_start3A_187 : memref<1x10240x128xf32, #tpu.memory_space<hbm>> -> memref<10240x128xf32, #tpu.memory_space<hbm>>
      %dma_start3A_189 = arith.constant 0 : i32
      %dma_start3A_190 = arith.constant 0 : i32
      %dma_start3A_191 = tpu.memref_slice %dma_start3A_188[%dma_start3A_189, %dma_start3A_190] : memref<10240x128xf32, #tpu.memory_space<hbm>> -> memref<10240x128xf32, #tpu.memory_space<hbm>>
      tpu.enqueue_indirect_dma source(%dma_start3A_191 : memref<10240x128xf32, #tpu.memory_space<hbm>>) target(%arg13 : memref<96x128xf32, #tpu.memory_space<vmem>>) offsets(%arg9 : memref<96xi32, #tpu.memory_space<vmem>>) semaphore(%arg15 : memref<!tpu.dma_semaphore, #tpu.memory_space<semaphore_mem>>)
      %dma_wait3A = arith.constant 0 : i32
      %dma_wait3A_192 = arith.constant 0 : i32
      %dma_wait3A_193 = tpu.memref_slice %arg2[%arg0, %dma_wait3A, %dma_wait3A_192] : memref<2x10240x128xf32, #tpu.memory_space<hbm>> -> memref<1x10240x128xf32, #tpu.memory_space<hbm>>
      %dma_wait3A_194 = tpu.memref_squeeze %dma_wait3A_193 : memref<1x10240x128xf32, #tpu.memory_space<hbm>> -> memref<10240x128xf32, #tpu.memory_space<hbm>>
      %dma_wait3A_195 = arith.constant 0 : i32
      %dma_wait3A_196 = arith.constant 0 : i32
      %dma_wait3A_197 = tpu.memref_slice %dma_wait3A_194[%dma_wait3A_195, %dma_wait3A_196] : memref<10240x128xf32, #tpu.memory_space<hbm>> -> memref<10240x128xf32, #tpu.memory_space<hbm>>
      tpu.wait_indirect_dma semaphore(%arg14 : memref<!tpu.dma_semaphore, #tpu.memory_space<semaphore_mem>>) src(%dma_wait3A_197 : memref<10240x128xf32, #tpu.memory_space<hbm>>) dst(%arg12 : memref<96x128xf32, #tpu.memory_space<vmem>>)
      "tpu.region"() ({
        %run_scoped3A = tpu.sem_alloc : memref<!tpu.dma_semaphore, #tpu.memory_space<semaphore_mem>>
        %dma_start3A_209 = arith.constant 0 : i32
        %dma_start3A_210 = arith.constant 0 : i32
        %dma_start3A_211 = tpu.memref_slice %arg16[%dma_start3A_209, %dma_start3A_210] : memref<10240x128xf32, #tpu.memory_space<vmem_shared>> -> memref<10240x128xf32, #tpu.memory_space<vmem_shared>>
        tpu.enqueue_indirect_dma source(%arg12 : memref<96x128xf32, #tpu.memory_space<vmem>>) target(%dma_start3A_211 : memref<10240x128xf32, #tpu.memory_space<vmem_shared>>) offsets(%arg10 : memref<96xi32, #tpu.memory_space<vmem>>) semaphore(%run_scoped3A : memref<!tpu.dma_semaphore, #tpu.memory_space<semaphore_mem>>) {add = true}
        %dma_wait3A_212 = arith.constant 0 : i32
        %dma_wait3A_213 = arith.constant 0 : i32
        %dma_wait3A_214 = tpu.memref_slice %arg16[%dma_wait3A_212, %dma_wait3A_213] : memref<10240x128xf32, #tpu.memory_space<vmem_shared>> -> memref<10240x128xf32, #tpu.memory_space<vmem_shared>>
        tpu.wait_indirect_dma semaphore(%run_scoped3A : memref<!tpu.dma_semaphore, #tpu.memory_space<semaphore_mem>>) src(%arg12 : memref<96x128xf32, #tpu.memory_space<vmem>>) dst(%dma_wait3A_214 : memref<10240x128xf32, #tpu.memory_space<vmem_shared>>)
        tpu.yield
      }) : () -> ()
      %add3A_198 = arith.constant 2 : i32
      %add3A_199 = arith.addi %mul3A_87, %add3A_198 : i32
      %lt3A = arith.constant 212 : i32
      %lt3A_200 = arith.cmpi slt, %add3A_199, %lt3A : i32
      %convert_element_type3A = arith.extui %lt3A_200 : i1 to i32
      %cond3A = arith.constant 0 : i32
      %cond3A_201 = arith.cmpi ne, %convert_element_type3A, %cond3A : i32
      scf.if %cond3A_201 {
        %add3A_209 = arith.constant 2 : i32
        %add3A_210 = arith.addi %mul3A_87, %add3A_209 : i32
        %mul3A_211 = arith.constant 48 : i32
        %mul3A_212 = arith.muli %add3A_210, %mul3A_211 : i32
        %add3A_213 = arith.constant 0 : i32
        %add3A_214 = arith.addi %mul3A_212, %add3A_213 : i32
        %get3A_215 = arith.index_cast %add3A_214 : i32 to index
        %get3A_216 = tpu.vector_load %arg6[%get3A_215] {strides = array<i32>} : memref<10176xi32, #tpu.memory_space<vmem>>, vector<16xi32>,
        %and3A_217 = arith.constant 65535 : i32
        %and3A_218 = vector.broadcast %and3A_217 : i32 to vector<16xi32>
        %and3A_219 = arith.andi %get3A_216, %and3A_218 : vector<16xi32>
        %swap3A_220 = arith.constant 0 : index
        %swap3A_221 = tpu.vector_load %arg8[%swap3A_220] {strides = array<i32>} : memref<96xi32, #tpu.memory_space<vmem>>, vector<16xi32>,
        tpu.vector_store %arg8[%swap3A_220], %and3A_219 {strides = array<i32>} : memref<96xi32, #tpu.memory_space<vmem>>, vector<16xi32>,
        %shift_right_arithmetic3A_222 = arith.constant 16 : i32
        %shift_right_arithmetic3A_223 = vector.broadcast %shift_right_arithmetic3A_222 : i32 to vector<16xi32>
        %shift_right_arithmetic3A_224 = arith.shrsi %get3A_216, %shift_right_arithmetic3A_223 : vector<16xi32>
        %swap3A_225 = arith.constant 48 : index
        %swap3A_226 = tpu.vector_load %arg8[%swap3A_225] {strides = array<i32>} : memref<96xi32, #tpu.memory_space<vmem>>, vector<16xi32>,
        tpu.vector_store %arg8[%swap3A_225], %shift_right_arithmetic3A_224 {strides = array<i32>} : memref<96xi32, #tpu.memory_space<vmem>>, vector<16xi32>,
        %mul3A_227 = arith.constant 48 : i32
        %mul3A_228 = arith.muli %add3A_210, %mul3A_227 : i32
        %add3A_229 = arith.constant 0 : i32
        %add3A_230 = arith.addi %mul3A_228, %add3A_229 : i32
        %get3A_231 = arith.index_cast %add3A_230 : i32 to index
        %get3A_232 = tpu.vector_load %arg7[%get3A_231] {strides = array<i32>} : memref<10176xi32, #tpu.memory_space<vmem>>, vector<16xi32>,
        %and3A_233 = arith.constant 65535 : i32
        %and3A_234 = vector.broadcast %and3A_233 : i32 to vector<16xi32>
        %and3A_235 = arith.andi %get3A_232, %and3A_234 : vector<16xi32>
        %swap3A_236 = arith.constant 0 : index
        %swap3A_237 = tpu.vector_load %arg10[%swap3A_236] {strides = array<i32>} : memref<96xi32, #tpu.memory_space<vmem>>, vector<16xi32>,
        tpu.vector_store %arg10[%swap3A_236], %and3A_235 {strides = array<i32>} : memref<96xi32, #tpu.memory_space<vmem>>, vector<16xi32>,
        %shift_right_arithmetic3A_238 = arith.constant 16 : i32
        %shift_right_arithmetic3A_239 = vector.broadcast %shift_right_arithmetic3A_238 : i32 to vector<16xi32>
        %shift_right_arithmetic3A_240 = arith.shrsi %get3A_232, %shift_right_arithmetic3A_239 : vector<16xi32>
        %swap3A_241 = arith.constant 48 : index
        %swap3A_242 = tpu.vector_load %arg10[%swap3A_241] {strides = array<i32>} : memref<96xi32, #tpu.memory_space<vmem>>, vector<16xi32>,
        tpu.vector_store %arg10[%swap3A_241], %shift_right_arithmetic3A_240 {strides = array<i32>} : memref<96xi32, #tpu.memory_space<vmem>>, vector<16xi32>,
        %mul3A_243 = arith.constant 48 : i32
        %mul3A_244 = arith.muli %add3A_210, %mul3A_243 : i32
        %add3A_245 = arith.constant 16 : i32
        %add3A_246 = arith.addi %mul3A_244, %add3A_245 : i32
        %get3A_247 = arith.index_cast %add3A_246 : i32 to index
        %get3A_248 = tpu.vector_load %arg6[%get3A_247] {strides = array<i32>} : memref<10176xi32, #tpu.memory_space<vmem>>, vector<16xi32>,
        %and3A_249 = arith.constant 65535 : i32
        %and3A_250 = vector.broadcast %and3A_249 : i32 to vector<16xi32>
        %and3A_251 = arith.andi %get3A_248, %and3A_250 : vector<16xi32>
        %swap3A_252 = arith.constant 16 : index
        %swap3A_253 = tpu.vector_load %arg8[%swap3A_252] {strides = array<i32>} : memref<96xi32, #tpu.memory_space<vmem>>, vector<16xi32>,
        tpu.vector_store %arg8[%swap3A_252], %and3A_251 {strides = array<i32>} : memref<96xi32, #tpu.memory_space<vmem>>, vector<16xi32>,
        %shift_right_arithmetic3A_254 = arith.constant 16 : i32
        %shift_right_arithmetic3A_255 = vector.broadcast %shift_right_arithmetic3A_254 : i32 to vector<16xi32>
        %shift_right_arithmetic3A_256 = arith.shrsi %get3A_248, %shift_right_arithmetic3A_255 : vector<16xi32>
        %swap3A_257 = arith.constant 64 : index
        %swap3A_258 = tpu.vector_load %arg8[%swap3A_257] {strides = array<i32>} : memref<96xi32, #tpu.memory_space<vmem>>, vector<16xi32>,
        tpu.vector_store %arg8[%swap3A_257], %shift_right_arithmetic3A_256 {strides = array<i32>} : memref<96xi32, #tpu.memory_space<vmem>>, vector<16xi32>,
        %mul3A_259 = arith.constant 48 : i32
        %mul3A_260 = arith.muli %add3A_210, %mul3A_259 : i32
        %add3A_261 = arith.constant 16 : i32
        %add3A_262 = arith.addi %mul3A_260, %add3A_261 : i32
        %get3A_263 = arith.index_cast %add3A_262 : i32 to index
        %get3A_264 = tpu.vector_load %arg7[%get3A_263] {strides = array<i32>} : memref<10176xi32, #tpu.memory_space<vmem>>, vector<16xi32>,
        %and3A_265 = arith.constant 65535 : i32
        %and3A_266 = vector.broadcast %and3A_265 : i32 to vector<16xi32>
        %and3A_267 = arith.andi %get3A_264, %and3A_266 : vector<16xi32>
        %swap3A_268 = arith.constant 16 : index
        %swap3A_269 = tpu.vector_load %arg10[%swap3A_268] {strides = array<i32>} : memref<96xi32, #tpu.memory_space<vmem>>, vector<16xi32>,
        tpu.vector_store %arg10[%swap3A_268], %and3A_267 {strides = array<i32>} : memref<96xi32, #tpu.memory_space<vmem>>, vector<16xi32>,
        %shift_right_arithmetic3A_270 = arith.constant 16 : i32
        %shift_right_arithmetic3A_271 = vector.broadcast %shift_right_arithmetic3A_270 : i32 to vector<16xi32>
        %shift_right_arithmetic3A_272 = arith.shrsi %get3A_264, %shift_right_arithmetic3A_271 : vector<16xi32>
        %swap3A_273 = arith.constant 64 : index
        %swap3A_274 = tpu.vector_load %arg10[%swap3A_273] {strides = array<i32>} : memref<96xi32, #tpu.memory_space<vmem>>, vector<16xi32>,
        tpu.vector_store %arg10[%swap3A_273], %shift_right_arithmetic3A_272 {strides = array<i32>} : memref<96xi32, #tpu.memory_space<vmem>>, vector<16xi32>,
        %mul3A_275 = arith.constant 48 : i32
        %mul3A_276 = arith.muli %add3A_210, %mul3A_275 : i32
        %add3A_277 = arith.constant 32 : i32
        %add3A_278 = arith.addi %mul3A_276, %add3A_277 : i32
        %get3A_279 = arith.index_cast %add3A_278 : i32 to index
        %get3A_280 = tpu.vector_load %arg6[%get3A_279] {strides = array<i32>} : memref<10176xi32, #tpu.memory_space<vmem>>, vector<16xi32>,
        %and3A_281 = arith.constant 65535 : i32
        %and3A_282 = vector.broadcast %and3A_281 : i32 to vector<16xi32>
        %and3A_283 = arith.andi %get3A_280, %and3A_282 : vector<16xi32>
        %swap3A_284 = arith.constant 32 : index
        %swap3A_285 = tpu.vector_load %arg8[%swap3A_284] {strides = array<i32>} : memref<96xi32, #tpu.memory_space<vmem>>, vector<16xi32>,
        tpu.vector_store %arg8[%swap3A_284], %and3A_283 {strides = array<i32>} : memref<96xi32, #tpu.memory_space<vmem>>, vector<16xi32>,
        %shift_right_arithmetic3A_286 = arith.constant 16 : i32
        %shift_right_arithmetic3A_287 = vector.broadcast %shift_right_arithmetic3A_286 : i32 to vector<16xi32>
        %shift_right_arithmetic3A_288 = arith.shrsi %get3A_280, %shift_right_arithmetic3A_287 : vector<16xi32>
        %swap3A_289 = arith.constant 80 : index
        %swap3A_290 = tpu.vector_load %arg8[%swap3A_289] {strides = array<i32>} : memref<96xi32, #tpu.memory_space<vmem>>, vector<16xi32>,
        tpu.vector_store %arg8[%swap3A_289], %shift_right_arithmetic3A_288 {strides = array<i32>} : memref<96xi32, #tpu.memory_space<vmem>>, vector<16xi32>,
        %mul3A_291 = arith.constant 48 : i32
        %mul3A_292 = arith.muli %add3A_210, %mul3A_291 : i32
        %add3A_293 = arith.constant 32 : i32
        %add3A_294 = arith.addi %mul3A_292, %add3A_293 : i32
        %get3A_295 = arith.index_cast %add3A_294 : i32 to index
        %get3A_296 = tpu.vector_load %arg7[%get3A_295] {strides = array<i32>} : memref<10176xi32, #tpu.memory_space<vmem>>, vector<16xi32>,
        %and3A_297 = arith.constant 65535 : i32
        %and3A_298 = vector.broadcast %and3A_297 : i32 to vector<16xi32>
        %and3A_299 = arith.andi %get3A_296, %and3A_298 : vector<16xi32>
        %swap3A_300 = arith.constant 32 : index
        %swap3A_301 = tpu.vector_load %arg10[%swap3A_300] {strides = array<i32>} : memref<96xi32, #tpu.memory_space<vmem>>, vector<16xi32>,
        tpu.vector_store %arg10[%swap3A_300], %and3A_299 {strides = array<i32>} : memref<96xi32, #tpu.memory_space<vmem>>, vector<16xi32>,
        %shift_right_arithmetic3A_302 = arith.constant 16 : i32
        %shift_right_arithmetic3A_303 = vector.broadcast %shift_right_arithmetic3A_302 : i32 to vector<16xi32>
        %shift_right_arithmetic3A_304 = arith.shrsi %get3A_296, %shift_right_arithmetic3A_303 : vector<16xi32>
        %swap3A_305 = arith.constant 80 : index
        %swap3A_306 = tpu.vector_load %arg10[%swap3A_305] {strides = array<i32>} : memref<96xi32, #tpu.memory_space<vmem>>, vector<16xi32>,
        tpu.vector_store %arg10[%swap3A_305], %shift_right_arithmetic3A_304 {strides = array<i32>} : memref<96xi32, #tpu.memory_space<vmem>>, vector<16xi32>,
        %dma_start3A_307 = arith.constant 0 : i32
        %dma_start3A_308 = arith.constant 0 : i32
        %dma_start3A_309 = tpu.memref_slice %arg2[%arg0, %dma_start3A_307, %dma_start3A_308] : memref<2x10240x128xf32, #tpu.memory_space<hbm>> -> memref<1x10240x128xf32, #tpu.memory_space<hbm>>
        %dma_start3A_310 = tpu.memref_squeeze %dma_start3A_309 : memref<1x10240x128xf32, #tpu.memory_space<hbm>> -> memref<10240x128xf32, #tpu.memory_space<hbm>>
        %dma_start3A_311 = arith.constant 0 : i32
        %dma_start3A_312 = arith.constant 0 : i32
        %dma_start3A_313 = tpu.memref_slice %dma_start3A_310[%dma_start3A_311, %dma_start3A_312] : memref<10240x128xf32, #tpu.memory_space<hbm>> -> memref<10240x128xf32, #tpu.memory_space<hbm>>
        tpu.enqueue_indirect_dma source(%dma_start3A_313 : memref<10240x128xf32, #tpu.memory_space<hbm>>) target(%arg12 : memref<96x128xf32, #tpu.memory_space<vmem>>) offsets(%arg8 : memref<96xi32, #tpu.memory_space<vmem>>) semaphore(%arg14 : memref<!tpu.dma_semaphore, #tpu.memory_space<semaphore_mem>>)
      } else {
      }
      %dma_wait3A_202 = arith.constant 0 : i32
      %dma_wait3A_203 = arith.constant 0 : i32
      %dma_wait3A_204 = tpu.memref_slice %arg2[%arg0, %dma_wait3A_202, %dma_wait3A_203] : memref<2x10240x128xf32, #tpu.memory_space<hbm>> -> memref<1x10240x128xf32, #tpu.memory_space<hbm>>
      %dma_wait3A_205 = tpu.memref_squeeze %dma_wait3A_204 : memref<1x10240x128xf32, #tpu.memory_space<hbm>> -> memref<10240x128xf32, #tpu.memory_space<hbm>>
      %dma_wait3A_206 = arith.constant 0 : i32
      %dma_wait3A_207 = arith.constant 0 : i32
      %dma_wait3A_208 = tpu.memref_slice %dma_wait3A_205[%dma_wait3A_206, %dma_wait3A_207] : memref<10240x128xf32, #tpu.memory_space<hbm>> -> memref<10240x128xf32, #tpu.memory_space<hbm>>
      tpu.wait_indirect_dma semaphore(%arg15 : memref<!tpu.dma_semaphore, #tpu.memory_space<semaphore_mem>>) src(%dma_wait3A_208 : memref<10240x128xf32, #tpu.memory_space<hbm>>) dst(%arg13 : memref<96x128xf32, #tpu.memory_space<vmem>>)
      "tpu.region"() ({
        %run_scoped3A = tpu.sem_alloc : memref<!tpu.dma_semaphore, #tpu.memory_space<semaphore_mem>>
        %dma_start3A_209 = arith.constant 0 : i32
        %dma_start3A_210 = arith.constant 0 : i32
        %dma_start3A_211 = tpu.memref_slice %arg16[%dma_start3A_209, %dma_start3A_210] : memref<10240x128xf32, #tpu.memory_space<vmem_shared>> -> memref<10240x128xf32, #tpu.memory_space<vmem_shared>>
        tpu.enqueue_indirect_dma source(%arg13 : memref<96x128xf32, #tpu.memory_space<vmem>>) target(%dma_start3A_211 : memref<10240x128xf32, #tpu.memory_space<vmem_shared>>) offsets(%arg11 : memref<96xi32, #tpu.memory_space<vmem>>) semaphore(%run_scoped3A : memref<!tpu.dma_semaphore, #tpu.memory_space<semaphore_mem>>) {add = true}
        %dma_wait3A_212 = arith.constant 0 : i32
        %dma_wait3A_213 = arith.constant 0 : i32
        %dma_wait3A_214 = tpu.memref_slice %arg16[%dma_wait3A_212, %dma_wait3A_213] : memref<10240x128xf32, #tpu.memory_space<vmem_shared>> -> memref<10240x128xf32, #tpu.memory_space<vmem_shared>>
        tpu.wait_indirect_dma semaphore(%run_scoped3A : memref<!tpu.dma_semaphore, #tpu.memory_space<semaphore_mem>>) src(%arg13 : memref<96x128xf32, #tpu.memory_space<vmem>>) dst(%dma_wait3A_214 : memref<10240x128xf32, #tpu.memory_space<vmem_shared>>)
        tpu.yield
      }) : () -> ()
    }
    %scan3A_83 = arith.constant 106 : i32
    %barrier3A_84 = arith.constant 0 : index
    tpu.barrier barrier_id(%barrier3A_84)
    "tpu.region"() ({
      %run_scoped3A = tpu.sem_alloc : memref<!tpu.dma_semaphore, #tpu.memory_space<semaphore_mem>>
      %dma_start3A_85 = arith.constant 0 : i32
      %dma_start3A_86 = arith.constant 0 : i32
      %dma_start3A_87 = tpu.memref_slice %arg5[%arg0, %dma_start3A_85, %dma_start3A_86] : memref<2x10240x128xf32, #tpu.memory_space<hbm>> -> memref<1x10240x128xf32, #tpu.memory_space<hbm>>
      %dma_start3A_88 = tpu.memref_squeeze %dma_start3A_87 : memref<1x10240x128xf32, #tpu.memory_space<hbm>> -> memref<10240x128xf32, #tpu.memory_space<hbm>>
      %dma_start3A_89 = arith.constant 0 : i32
      %dma_start3A_90 = tpu.memref_slice %dma_start3A_88[%mul3A_4, %dma_start3A_89] : memref<10240x128xf32, #tpu.memory_space<hbm>> -> memref<640x128xf32, #tpu.memory_space<hbm>>
      %dma_start3A_91 = arith.constant 0 : i32
      %dma_start3A_92 = tpu.memref_slice %arg16[%mul3A_4, %dma_start3A_91] : memref<10240x128xf32, #tpu.memory_space<vmem_shared>> -> memref<640x128xf32, #tpu.memory_space<vmem_shared>>
      tpu.enqueue_dma source(%dma_start3A_92 : memref<640x128xf32, #tpu.memory_space<vmem_shared>>) target(%dma_start3A_90 : memref<640x128xf32, #tpu.memory_space<hbm>>) target_semaphore(%run_scoped3A : memref<!tpu.dma_semaphore, #tpu.memory_space<semaphore_mem>>)
      %dma_wait3A = arith.constant 0 : i32
      %dma_wait3A_93 = arith.constant 0 : i32
      %dma_wait3A_94 = tpu.memref_slice %arg5[%arg0, %dma_wait3A, %dma_wait3A_93] : memref<2x10240x128xf32, #tpu.memory_space<hbm>> -> memref<1x10240x128xf32, #tpu.memory_space<hbm>>
      %dma_wait3A_95 = tpu.memref_squeeze %dma_wait3A_94 : memref<1x10240x128xf32, #tpu.memory_space<hbm>> -> memref<10240x128xf32, #tpu.memory_space<hbm>>
      %dma_wait3A_96 = arith.constant 0 : i32
      %dma_wait3A_97 = tpu.memref_slice %dma_wait3A_95[%mul3A_4, %dma_wait3A_96] : memref<10240x128xf32, #tpu.memory_space<hbm>> -> memref<640x128xf32, #tpu.memory_space<hbm>>
      %dma_wait3A_98 = arith.constant 0 : i32
      %dma_wait3A_99 = tpu.memref_slice %arg16[%mul3A_4, %dma_wait3A_98] : memref<10240x128xf32, #tpu.memory_space<vmem_shared>> -> memref<640x128xf32, #tpu.memory_space<vmem_shared>>
      tpu.wait_dma2 semaphore(%run_scoped3A : memref<!tpu.dma_semaphore, #tpu.memory_space<semaphore_mem>>) src(%dma_wait3A_99 : memref<640x128xf32, #tpu.memory_space<vmem_shared>>) dst(%dma_wait3A_97 : memref<640x128xf32, #tpu.memory_space<hbm>>)
      tpu.yield
    }) : () -> ()
    return
  }
}

module attributes {stable_mosaic.version = 14 : i64} {
  func.func @_mm_body(%arg0: i32, %arg1: memref<1024x128xf32, #tpu.memory_space<vmem>>, %arg2: memref<1024x128xf32, #tpu.memory_space<vmem>>, %arg3: memref<128x128xf32, #tpu.memory_space<vmem>>, %arg4: memref<128x128xf32, #tpu.memory_space<vmem>>, %arg5: memref<32x1024xf32, #tpu.memory_space<vmem>>, %arg6: memref<2x1024x128xf32, #tpu.memory_space<vmem>>) attributes {dimension_semantics = [#tpu.dimension_semantics<arbitrary>], iteration_bounds = array<i64: 10>, scalar_prefetch = 0 : i64, scratch_operands = 0 : i64, tpu.core_type = #tpu.core_type<tc>, window_params = [{transform_indices = @transform_0, window_bounds = array<i64: 1024, 128>}, {transform_indices = @transform_1, window_bounds = array<i64: 1024, 128>}, {pipeline_mode = #tpu.pipeline_mode<synchronous>, transform_indices = @transform_2, window_bounds = array<i64: 128, 128>}, {pipeline_mode = #tpu.pipeline_mode<synchronous>, transform_indices = @transform_3, window_bounds = array<i64: 128, 128>}, {transform_indices = @transform_4, window_bounds = array<i64: 32, 1024>}, {transform_indices = @transform_5, window_bounds = array<i64: 2, 1024, 128>}]} {
    %get3A = arith.constant 0 : index
    %get3A_0 = arith.constant 0 : index
    %get3A_1 = vector.load %arg5[%get3A, %get3A_0] : memref<32x1024xf32, #tpu.memory_space<vmem>>, vector<32x1024xf32>
    %reduce_sum3A = arith.constant dense<0.000000e+00> : vector<1024xf32>
    %reduce_sum3A_2 = vector.multi_reduction <add>, %get3A_1, %reduce_sum3A [0] : vector<32x1024xf32> to vector<1024xf32>
    %add3A = arith.constant 1.000000e+00 : f32
    %add3A_3 = vector.broadcast %add3A : f32 to vector<1024xf32>
    %add3A_4 = arith.addf %reduce_sum3A_2, %add3A_3 : vector<1024xf32>
    %rsqrt3A = math.rsqrt %add3A_4 : vector<1024xf32>
    %broadcast_in_dim3A = vector.shape_cast %rsqrt3A : vector<1024xf32> to vector<1024x1xf32>
    %get3A_5 = arith.constant 0 : index
    %get3A_6 = arith.constant 0 : index
    %get3A_7 = vector.load %arg1[%get3A_5, %get3A_6] : memref<1024x128xf32, #tpu.memory_space<vmem>>, vector<1024x128xf32>
    %get3A_8 = arith.constant 0 : index
    %get3A_9 = arith.constant 0 : index
    %get3A_10 = vector.load %arg3[%get3A_8, %get3A_9] : memref<128x128xf32, #tpu.memory_space<vmem>>, vector<128x128xf32>
    %dot_general3A = arith.constant dense<0.000000e+00> : vector<1024x128xf32>
    %dot_general3A_11 = tpu.matmul %get3A_7, %get3A_10, %dot_general3A {dimension_numbers = #tpu.dot_dimension_numbers<[1], [0], [0], [1], [0, 0, 1, 1], [], []>, transpose_lhs_hint = false} : vector<1024x128xf32>, vector<128x128xf32>, vector<1024x128xf32> -> vector<1024x128xf32>
    %get3A_12 = arith.constant 0 : index
    %get3A_13 = arith.constant 0 : index
    %get3A_14 = vector.load %arg2[%get3A_12, %get3A_13] : memref<1024x128xf32, #tpu.memory_space<vmem>>, vector<1024x128xf32>
    %get3A_15 = arith.constant 0 : index
    %get3A_16 = arith.constant 0 : index
    %get3A_17 = vector.load %arg4[%get3A_15, %get3A_16] : memref<128x128xf32, #tpu.memory_space<vmem>>, vector<128x128xf32>
    %dot_general3A_18 = arith.constant dense<0.000000e+00> : vector<1024x128xf32>
    %dot_general3A_19 = tpu.matmul %get3A_14, %get3A_17, %dot_general3A_18 {dimension_numbers = #tpu.dot_dimension_numbers<[1], [0], [0], [1], [0, 0, 1, 1], [], []>, transpose_lhs_hint = false} : vector<1024x128xf32>, vector<128x128xf32>, vector<1024x128xf32> -> vector<1024x128xf32>
    %mul3A = vector.broadcast %broadcast_in_dim3A : vector<1024x1xf32> to vector<1024x128xf32>
    %mul3A_20 = arith.mulf %dot_general3A_11, %mul3A : vector<1024x128xf32>
    %swap3A = arith.constant 0 : index
    %swap3A_21 = arith.constant 0 : index
    %swap3A_22 = arith.constant 0 : index
    %swap3A_23 = vector.load %arg6[%swap3A, %swap3A_21, %swap3A_22] : memref<2x1024x128xf32, #tpu.memory_space<vmem>>, vector<1x1024x128xf32>
    %swap3A_24 = vector.shape_cast %swap3A_23 : vector<1x1024x128xf32> to vector<1024x128xf32>
    %swap3A_25 = vector.shape_cast %mul3A_20 : vector<1024x128xf32> to vector<1x1024x128xf32>
    tpu.vector_store %arg6[%swap3A, %swap3A_21, %swap3A_22], %swap3A_25 {strides = array<i32>} : memref<2x1024x128xf32, #tpu.memory_space<vmem>>, vector<1x1024x128xf32>,
    %mul3A_26 = vector.broadcast %broadcast_in_dim3A : vector<1024x1xf32> to vector<1024x128xf32>
    %mul3A_27 = arith.mulf %dot_general3A_19, %mul3A_26 : vector<1024x128xf32>
    %swap3A_28 = arith.constant 1 : index
    %swap3A_29 = arith.constant 0 : index
    %swap3A_30 = arith.constant 0 : index
    %swap3A_31 = vector.load %arg6[%swap3A_28, %swap3A_29, %swap3A_30] : memref<2x1024x128xf32, #tpu.memory_space<vmem>>, vector<1x1024x128xf32>
    %swap3A_32 = vector.shape_cast %swap3A_31 : vector<1x1024x128xf32> to vector<1024x128xf32>
    %swap3A_33 = vector.shape_cast %mul3A_27 : vector<1024x128xf32> to vector<1x1024x128xf32>
    tpu.vector_store %arg6[%swap3A_28, %swap3A_29, %swap3A_30], %swap3A_33 {strides = array<i32>} : memref<2x1024x128xf32, #tpu.memory_space<vmem>>, vector<1x1024x128xf32>,
    return
  }
  func.func @transform_0(%arg0: i32) -> (i32, i32) {
    %c0_i32 = arith.constant 0 : i32
    %c0_i32_0 = arith.constant 0 : i32
    return %arg0, %c0_i32 : i32, i32
  }
  func.func @transform_1(%arg0: i32) -> (i32, i32) {
    %c0_i32 = arith.constant 0 : i32
    %c0_i32_0 = arith.constant 0 : i32
    return %arg0, %c0_i32 : i32, i32
  }
  func.func @transform_2(%arg0: i32) -> (i32, i32) {
    %c0_i32 = arith.constant 0 : i32
    %c0_i32_0 = arith.constant 0 : i32
    %c0_i32_1 = arith.constant 0 : i32
    return %c0_i32, %c0_i32_0 : i32, i32
  }
  func.func @transform_3(%arg0: i32) -> (i32, i32) {
    %c0_i32 = arith.constant 0 : i32
    %c0_i32_0 = arith.constant 0 : i32
    %c0_i32_1 = arith.constant 0 : i32
    return %c0_i32, %c0_i32_0 : i32, i32
  }
  func.func @transform_4(%arg0: i32) -> (i32, i32) {
    %c0_i32 = arith.constant 0 : i32
    %c0_i32_0 = arith.constant 0 : i32
    return %c0_i32, %arg0 : i32, i32
  }
  func.func @transform_5(%arg0: i32) -> (i32, i32, i32) {
    %c0_i32 = arith.constant 0 : i32
    %c0_i32_0 = arith.constant 0 : i32
    %c0_i32_1 = arith.constant 0 : i32
    return %c0_i32, %arg0, %c0_i32_0 : i32, i32, i32
  }
}

module attributes {stable_mosaic.version = 14 : i64} {
  func.func @_out_body(%arg0: i32, %arg1: memref<2x1024x128xf32, #tpu.memory_space<vmem>>, %arg2: memref<32x1024xf32, #tpu.memory_space<vmem>>, %arg3: memref<1x128xf32, #tpu.memory_space<vmem>>, %arg4: memref<1x128xf32, #tpu.memory_space<vmem>>, %arg5: memref<1024x128xf32, #tpu.memory_space<vmem>>) attributes {dimension_semantics = [#tpu.dimension_semantics<arbitrary>], iteration_bounds = array<i64: 10>, scalar_prefetch = 0 : i64, scratch_operands = 0 : i64, tpu.core_type = #tpu.core_type<tc>, window_params = [{transform_indices = @transform_0, window_bounds = array<i64: 2, 1024, 128>}, {transform_indices = @transform_1, window_bounds = array<i64: 32, 1024>}, {pipeline_mode = #tpu.pipeline_mode<synchronous>, transform_indices = @transform_2, window_bounds = array<i64: 1, 128>}, {pipeline_mode = #tpu.pipeline_mode<synchronous>, transform_indices = @transform_3, window_bounds = array<i64: 1, 128>}, {transform_indices = @transform_4, window_bounds = array<i64: 1024, 128>}]} {
    %get3A = arith.constant 0 : index
    %get3A_0 = arith.constant 0 : index
    %get3A_1 = vector.load %arg2[%get3A, %get3A_0] : memref<32x1024xf32, #tpu.memory_space<vmem>>, vector<32x1024xf32>
    %reduce_sum3A = arith.constant dense<0.000000e+00> : vector<1024xf32>
    %reduce_sum3A_2 = vector.multi_reduction <add>, %get3A_1, %reduce_sum3A [0] : vector<32x1024xf32> to vector<1024xf32>
    %add3A = arith.constant 1.000000e+00 : f32
    %add3A_3 = vector.broadcast %add3A : f32 to vector<1024xf32>
    %add3A_4 = arith.addf %reduce_sum3A_2, %add3A_3 : vector<1024xf32>
    %rsqrt3A = math.rsqrt %add3A_4 : vector<1024xf32>
    %broadcast_in_dim3A = vector.shape_cast %rsqrt3A : vector<1024xf32> to vector<1024x1xf32>
    %get3A_5 = arith.constant 0 : index
    %get3A_6 = arith.constant 0 : index
    %get3A_7 = arith.constant 0 : index
    %get3A_8 = vector.load %arg1[%get3A_5, %get3A_6, %get3A_7] : memref<2x1024x128xf32, #tpu.memory_space<vmem>>, vector<1x1024x128xf32>
    %get3A_9 = vector.shape_cast %get3A_8 : vector<1x1024x128xf32> to vector<1024x128xf32>
    %mul3A = vector.broadcast %broadcast_in_dim3A : vector<1024x1xf32> to vector<1024x128xf32>
    %mul3A_10 = arith.mulf %get3A_9, %mul3A : vector<1024x128xf32>
    %get3A_11 = arith.constant 0 : index
    %get3A_12 = arith.constant 0 : index
    %get3A_13 = vector.load %arg3[%get3A_11, %get3A_12] : memref<1x128xf32, #tpu.memory_space<vmem>>, vector<1x128xf32>
    %add3A_14 = vector.broadcast %get3A_13 : vector<1x128xf32> to vector<1024x128xf32>
    %add3A_15 = arith.addf %mul3A_10, %add3A_14 : vector<1024x128xf32>
    %max3A = arith.constant 0.000000e+00 : f32
    %max3A_16 = vector.broadcast %max3A : f32 to vector<1024x128xf32>
    %max3A_17 = arith.maximumf %add3A_15, %max3A_16 : vector<1024x128xf32>
    %get3A_18 = arith.constant 1 : index
    %get3A_19 = arith.constant 0 : index
    %get3A_20 = arith.constant 0 : index
    %get3A_21 = vector.load %arg1[%get3A_18, %get3A_19, %get3A_20] : memref<2x1024x128xf32, #tpu.memory_space<vmem>>, vector<1x1024x128xf32>
    %get3A_22 = vector.shape_cast %get3A_21 : vector<1x1024x128xf32> to vector<1024x128xf32>
    %mul3A_23 = vector.broadcast %broadcast_in_dim3A : vector<1024x1xf32> to vector<1024x128xf32>
    %mul3A_24 = arith.mulf %get3A_22, %mul3A_23 : vector<1024x128xf32>
    %get3A_25 = arith.constant 0 : index
    %get3A_26 = arith.constant 0 : index
    %get3A_27 = vector.load %arg4[%get3A_25, %get3A_26] : memref<1x128xf32, #tpu.memory_space<vmem>>, vector<1x128xf32>
    %add3A_28 = vector.broadcast %get3A_27 : vector<1x128xf32> to vector<1024x128xf32>
    %add3A_29 = arith.addf %mul3A_24, %add3A_28 : vector<1024x128xf32>
    %max3A_30 = arith.constant 0.000000e+00 : f32
    %max3A_31 = vector.broadcast %max3A_30 : f32 to vector<1024x128xf32>
    %max3A_32 = arith.maximumf %add3A_29, %max3A_31 : vector<1024x128xf32>
    %add3A_33 = arith.addf %max3A_17, %max3A_32 : vector<1024x128xf32>
    %reduce_max3A = arith.constant dense<0xFF800000> : vector<1024xf32>
    %reduce_max3A_34 = vector.multi_reduction <maximumf>, %add3A_33, %reduce_max3A [1] : vector<1024x128xf32> to vector<1024xf32>
    %broadcast_in_dim3A_35 = vector.shape_cast %reduce_max3A_34 : vector<1024xf32> to vector<1024x1xf32>
    %sub3A = vector.broadcast %broadcast_in_dim3A_35 : vector<1024x1xf32> to vector<1024x128xf32>
    %sub3A_36 = arith.subf %add3A_33, %sub3A : vector<1024x128xf32>
    %exp3A = math.exp %sub3A_36 : vector<1024x128xf32>
    %reduce_sum3A_37 = arith.constant dense<0.000000e+00> : vector<1024xf32>
    %reduce_sum3A_38 = vector.multi_reduction <add>, %exp3A, %reduce_sum3A_37 [1] : vector<1024x128xf32> to vector<1024xf32>
    %broadcast_in_dim3A_39 = vector.shape_cast %reduce_sum3A_38 : vector<1024xf32> to vector<1024x1xf32>
    %log3A = math.log %broadcast_in_dim3A_39 : vector<1024x1xf32>
    %add3A_40 = arith.addf %log3A, %broadcast_in_dim3A_35 : vector<1024x1xf32>
    %sub3A_41 = vector.broadcast %add3A_40 : vector<1024x1xf32> to vector<1024x128xf32>
    %sub3A_42 = arith.subf %add3A_33, %sub3A_41 : vector<1024x128xf32>
    %swap3A = arith.constant 0 : index
    %swap3A_43 = arith.constant 0 : index
    %swap3A_44 = vector.load %arg5[%swap3A, %swap3A_43] : memref<1024x128xf32, #tpu.memory_space<vmem>>, vector<1024x128xf32>
    tpu.vector_store %arg5[%swap3A, %swap3A_43], %sub3A_42 {strides = array<i32>} : memref<1024x128xf32, #tpu.memory_space<vmem>>, vector<1024x128xf32>,
    return
  }
  func.func @transform_0(%arg0: i32) -> (i32, i32, i32) {
    %c0_i32 = arith.constant 0 : i32
    %c0_i32_0 = arith.constant 0 : i32
    %c0_i32_1 = arith.constant 0 : i32
    return %c0_i32, %arg0, %c0_i32_0 : i32, i32, i32
  }
  func.func @transform_1(%arg0: i32) -> (i32, i32) {
    %c0_i32 = arith.constant 0 : i32
    %c0_i32_0 = arith.constant 0 : i32
    return %c0_i32, %arg0 : i32, i32
  }
  func.func @transform_2(%arg0: i32) -> (i32, i32) {
    %c0_i32 = arith.constant 0 : i32
    %c0_i32_0 = arith.constant 0 : i32
    %c0_i32_1 = arith.constant 0 : i32
    return %c0_i32, %c0_i32_0 : i32, i32
  }
  func.func @transform_3(%arg0: i32) -> (i32, i32) {
    %c0_i32 = arith.constant 0 : i32
    %c0_i32_0 = arith.constant 0 : i32
    %c0_i32_1 = arith.constant 0 : i32
    return %c0_i32, %c0_i32_0 : i32, i32
  }
  func.func @transform_4(%arg0: i32) -> (i32, i32) {
    %c0_i32 = arith.constant 0 : i32
    %c0_i32_0 = arith.constant 0 : i32
    return %arg0, %c0_i32 : i32, i32
  }
}

</mosaic_0001>

<sc_bundles>
// kernel: kernel.6.cloned.1.call-start
scs
__scs_entry_jumppad:
0x0: {  	(pc) =	sbr.rel $0x88, $3  }
0x1: {  	(tag) =	ssettag $0x0;
	lr =	simm.s32 $0x1  }
0x2: {  	[smem:$0x3F9A] =	sst lr;
	_ =	strace $0xD0000000  }
0x3: {  	_ = 	snop  }
0x4: {  	_ = 	snop  }
0x5: {  	_ = 	snop  }
0x6: {  	_ = 	snop  }
0x7: {  	_ = 	snop  }
__scs_overlays_trampoline_lowered:
0x8: {  	[smem:$0x3FA9] =	sst s0  }
0x9: {  	[smem:$0x3FAA] =	sst s1  }
0xa: {  	[smem:$0x3FAB] =	sst s2  }
0xb: {  	[smem:$0x3FAC] =	sst s3  }
0xc: {  	[smem:$0x3FAD] =	sst s4  }
0xd: {  	[smem:$0x3FAE] =	sst s5  }
0xe: {  	[smem:$0x3FAF] =	sst s6  }
0xf: {  	[smem:$0x3FB0] =	sst s7  }
0x10: {  	[smem:$0x3FB1] =	sst s8  }
0x11: {  	[smem:$0x3FB2] =	sst s9;
	s0 =	simm.s32 @!p0 $0x0  }
0x12: {  	s1 =	sld [smem:$0x3F98];
	s0 =	simm.s32 @p0 $0x1  }
0x13: {  	[smem:$0x3FB3] =	sst s0;
	s0 =	simm.s32 @!p1 $0x0  }
0x14: {  	s2 =	sld [smem:$0x3F97];
	s0 =	simm.s32 @p1 $0x1  }
0x15: {  	[smem:$0x3FB4] =	sst s0;
	s0 =	simm.s32 @!p2 $0x0  }
0x16: {  	s3 =	sld [smem:$0x3FDB];
	s0 =	simm.s32 @p2 $0x1  }
0x17: {  	s4 =	simm.s32 $0x1BF5;
	[smem:$0x3FB6] =	sst s0  }
0x18: {  	s0 =	sld [smem:$0x3F99];
	_ =	swait.ge [sflag:s4], $0x0  }
0x19: {  	s7 =	sld [smem:$0x3F9A]  }
0x1a: {  	s8 =	sadd.s32 $0xFFFFE003, lr  }
0x1b: {  	s9 =	sadd.s32 $0xFFFFFEF7, lr;
	s5 =	simm.s32 $0xFFFFFFFF;
	p2 =	slt.u32 s8, $0xFFFFF086  }
0x1c: {  	p1 =	slt.u32 s9, $0xF7A;
	s5 =	simm.s32 @!p2 $0x0  }
0x1d: {  	s5 =	simm.s32 @p1 $0x1;
	p0 =	seq.s32 s7, s2  }
0x1e: {  	s7 =	smul.u32 @!p0 $0xF7A, s2;
	p2 =	seq.s32 @!p0 s5, $0x0  }
0x1f: {  	s9 =	smul.u32 $0xF7A, s1;
	s8 =	simm.s32 @!p0 $0x1BF5;
	p2 =	por !p2, p0  }
0x20: {  	[sflag:s8] =	ssyncset.s32 @!p0 $0xFFFFF086;
	s6 =	sadd.s32 @!p0 s3, s7;
	s7 =	simm.s32 @!p0 $0x108  }
0x21: {  	s3 =	sadd.s32 s3, s9;
	s6 =	sadd.s32 @!p0 $0x88, s6;
	s7 =	simm.s32 @p2 $0x1082  }
0x22: {  	[simem:s7], [sflag:s8] =	dma.local @!p0 [hbm:s6], $0xF7A  }
0x23: {  	s9 =	sor.u32 $0xD0000000, s2;
	s6 =	simm.s32 $0x108;
	_ =	swait.ge @!p0 [sflag:s8], $0x0  }
0x24: {  	s3 =	sadd.s32 $0x88, s3;
	s6 =	simm.s32 @!p1 $0x1082;
	[sflag:s4] =	ssyncset.s32 $0xFFFFF086  }
0x25: {  	[simem:s6], [sflag:s4] =	dma.local [hbm:s3], $0xF7A  }
0x26: {  	[smem:$0x3F9A] =	sst s1;
	(tag) =	ssettag s2;
	_ =	strace s9  }
0x27: {  	s1 =	sld [smem:$0x3FAA]  }
0x28: {  	s2 =	sld [smem:$0x3FAB]  }
0x29: {  	s4 =	sld [smem:$0x3FAD]  }
0x2a: {  	p0 =	seq.s32 s5, $0x0;
	s5 =	sld [smem:$0x3FAE]  }
0x2b: {  	s6 =	sld [smem:$0x3FAF]  }
0x2c: {  	s7 =	sld [smem:$0x3FB0]  }
0x2d: {  	s3 =	simm.s32 $0x108;
	s8 =	sld [smem:$0x3FB1]  }
0x2e: {  	s3 =	simm.s32 @!p0 $0x1082;
	s9 =	sld [smem:$0x3FB2]  }
0x2f: {  	lr =	sadd.s32 s0, s3;
	s0 =	sld [smem:$0x3FA9]  }
0x30: {  	s3 =	sld [smem:$0x3FAC]  }
0x31: {  	[smem:$0x3FB5] =	sst s10  }
0x32: {  	s10 =	sld [smem:$0x3FB3];
	_ =	sdelay $0x3  }
0x33: {  	p0 =	seq.s32 s10, $0x1;
	s10 =	sld [smem:$0x3FB5];
	_ =	sdelay $0x3  }
0x34: {  	[smem:$0x3FB5] =	sst s10  }
0x35: {  	s10 =	sld [smem:$0x3FB4];
	_ =	sdelay $0x3  }
0x36: {  	p1 =	seq.s32 s10, $0x1;
	s10 =	sld [smem:$0x3FB5];
	_ =	sdelay $0x3  }
0x37: {  	[smem:$0x3FB5] =	sst s10  }
0x38: {  	s10 =	sld [smem:$0x3FB6]  }
0x39: {  	_ = 	snop;
	(pc) =	sbr.ind lr, $3  }
0x3a: {  	_ = 	snop  }
0x3b: {  	_ = 	snop  }
0x3c: {  	p2 =	seq.s32 s10, $0x1;
	s10 =	sld [smem:$0x3FB5]  }
0x3d: {  	_ =	shalt  }
0x3e: {  	_ =	shalt  }
0x3f: {  	_ =	shalt  }
0x40: {  	_ =	shalt  }
0x41: {  	_ =	shalt  }
0x42: {  	_ =	shalt  }
0x43: {  	_ =	shalt  }
0x44: {  	_ =	shalt  }
0x45: {  	_ =	shalt  }
0x46: {  	_ =	shalt  }
0x47: {  	_ =	shalt  }
0x48: {  	_ =	shalt  }
0x49: {  	_ =	shalt  }
0x4a: {  	_ =	shalt  }
0x4b: {  	_ =	shalt  }
0x4c: {  	_ =	shalt  }
0x4d: {  	_ =	shalt  }
0x4e: {  	_ =	shalt  }
0x4f: {  	_ =	shalt  }
0x50: {  	_ =	shalt  }
0x51: {  	_ =	shalt  }
0x52: {  	_ =	shalt  }
0x53: {  	_ =	shalt  }
0x54: {  	_ =	shalt  }
0x55: {  	_ =	shalt  }
0x56: {  	_ =	shalt  }
0x57: {  	_ =	shalt  }
0x58: {  	_ =	shalt  }
0x59: {  	_ =	shalt  }
0x5a: {  	_ =	shalt  }
0x5b: {  	_ =	shalt  }
0x5c: {  	_ =	shalt  }
0x5d: {  	_ =	shalt  }
0x5e: {  	_ =	shalt  }
0x5f: {  	_ =	shalt  }
0x60: {  	_ =	shalt  }
0x61: {  	_ =	shalt  }
0x62: {  	_ =	shalt  }
0x63: {  	_ =	shalt  }
0x64: {  	_ =	shalt  }
0x65: {  	_ =	shalt  }
0x66: {  	_ =	shalt  }
0x67: {  	_ =	shalt  }
0x68: {  	_ =	shalt  }
0x69: {  	_ =	shalt  }
0x6a: {  	_ =	shalt  }
0x6b: {  	_ =	shalt  }
0x6c: {  	_ =	shalt  }
0x6d: {  	_ =	shalt  }
0x6e: {  	_ =	shalt  }
0x6f: {  	_ =	shalt  }
0x70: {  	_ =	shalt  }
0x71: {  	_ =	shalt  }
0x72: {  	_ =	shalt  }
0x73: {  	_ =	shalt  }
0x74: {  	_ =	shalt  }
0x75: {  	_ =	shalt  }
0x76: {  	_ =	shalt  }
0x77: {  	_ =	shalt  }
0x78: {  	_ =	shalt  }
0x79: {  	_ =	shalt  }
0x7a: {  	_ =	shalt  }
0x7b: {  	_ =	shalt  }
0x7c: {  	_ =	shalt  }
0x7d: {  	_ =	shalt  }
0x7e: {  	_ =	shalt  }
0x7f: {  	_ =	shalt  }
0x80: {  	_ =	shalt  }
0x81: {  	_ =	shalt  }
0x82: {  	_ =	shalt  }
0x83: {  	_ =	shalt  }
0x84: {  	_ =	shalt  }
0x85: {  	_ =	shalt  }
0x86: {  	_ =	shalt  }
0x87: {  	_ =	shalt  }
.Lfunc_end0:
.L_simem_size_0:
called_computation_lowered:
.L_overlay_start_0:
0x88: {  	s2 =	sld [smem:$0x3FD9]  }
0x89: {  	s3 =	sld [smem:$0x3FFE];
	_ =	sdelay $0x1  }
0x8a: {  	s1 =	srdreg.scid  }
0x8b: {  	s0 =	sand.u32 $0x1, s1  }
0x8c: {  	s17 =	sshll.u32 s0, $0xA;
	s2 =	sadd.s32 s3, s2  }
0x8d: {  	s2 =	sadd.s32 s2, s17  }
0x8e: {  	[smem:$0x3FC1] =	sst s2  }
0x8f: {  	_ = 	snop  }
0x90: {  	s2 =	sld [smem:$0x3FD0];
	(tm) =	ssettm $0x1  }
0x91: {  	s18 =	sld [smem:$0x3FFB];
	_ =	sdelay $0x3  }
0x92: {  	_ =	strace s18  }
0x93: {  	s3 =	sld [smem:$0x3FFC];
	_ =	sdelay $0x3  }
0x94: {  	_ =	strace s3  }
0x95: {  	s3 =	sld [smem:$0x3FFD];
	_ =	sdelay $0x3  }
0x96: {  	_ =	strace s3  }
0x97: {  	_ =	strace $0x8FFFFFFF  }
0x98: {  	s19 =	sld [smem:$0x3FDB];
	_ =	sdelay $0x1  }
0x99: {  	s4 =	simm.s32 $_scs_section_size  }
0x9a: {  	s5 =	simm.s32 $_size__tile_overlayer_lowered;
	s6 =	simm.s32 $_tile_overlayer_lowered  }
0x9b: {  	s22 =	simm.s32 $0x1BFF;
	s21 =	sshll.u32 s6, $0x1;
	s3 =	sadd.s32 s4, s19  }
0x9c: {  	s7 =	simm.s32 $0x0;
	s20 =	sshll.u32 s5, $0x1;
	s5 =	sadd.s32 s21, s3  }
0x9d: {  	[timem:s7], [sflag:s22] =	dma.local [hbm:s5], s20  }
0x9e: {  	_ =	swait.ge [sflag:s22], s20  }
0x9f: {  	s4 =	ssub.s32 $0x0, s20;
	[sflag:s22] =	ssyncset.done $0x0  }
0xa0: {  	[sflag:s22] =	ssyncadd.s32 s4;
	_ =	sdelay $0x1  }
0xa1: {  	s23 =	simm.s32 $0x1B8B  }
0xa2: {  	_ =	swait.ge [sflag:s23], $0x1  }
0xa3: {  	[sflag:s23] =	ssyncset.done $0x0  }
0xa4: {  	s25 =	simm.s32 $0x1B8E;
	s24 =	sld [smem:$0x3FFE];
	[sflag:s23] =	ssyncadd.s32 $0xFFFFFFFF  }
0xa5: {  	s26 =	simm.s32 $execute0_lowered;
	[smem:$0x3FD2] =	sst s25  }
0xa6: {  	s5 =	sshll.u32 s26, $0x1;
	_ =	strace $0x80000046;
	[dreg:$0x1] =	wrdreg $0xFFFFFFFF  }
0xa7: {  	s28 =	simm.s32 $_size_execute0_lowered;
	s3 =	sadd.s32 s3, s5;
	[dreg:$0x0] =	wrdreg $0x0  }
0xa8: {  	s5 =	sshll.u32 s28, $0x1;
	[dreg:$0x2] =	wrdreg s3  }
0xa9: {  	[dreg:$0x3] =	wrdreg s5  }
0xaa: {  	[dreg:$0x4] =	wrdreg $0xC0  }
0xab: {  	_ =	task [dreg:s7], $0x5FFFF  }
0xac: {  	[dreg:$0x1] =	wrdreg $0xFFFFFFFF  }
0xad: {  	[dreg:$0x0] =	wrdreg $0x60  }
0xae: {  	[dreg:$0x2] =	wrdreg s24  }
0xaf: {  	[dreg:$0x3] =	wrdreg s2  }
0xb0: {  	[dreg:$0x4] =	wrdreg $0x9  }
0xb1: {  	_ =	task.clear_ibuf [dreg:s7], $0x5FFFF;
	_ =	strace $0x90000046  }
0xb2: {  	s29 =	simm.s32 $0x9;
	_ =	strace $0x80000048  }
0xb3: {  	_ =	swait.ge [sflag:s29], $0x1  }
0xb4: {  	[sflag:s29] =	ssyncadd.s32 $0xFFFFFFFF  }
0xb5: {  	_ =	strace $0x90000048  }
0xb6: {  	_ =	sfence  }
0xb7: {  	s30 =	sld [smem:$0x0];
	_ =	sdelay $0x2  }
0xb8: {  	s31 =	sshll.u32 s1, $0xD;
	s1 =	sshrl.u32 s1, $0x2  }
0xb9: {  	s3 =	sand.u32 $0x4000, s31;
	s1 =	sadd.s32 s1, s30  }
0xba: {  	s0 =	sor.u32 s3, s0;
	s1 =	sshll.u32 s1, $0x11  }
0xbb: {  	s0 =	sor.u32 s1, s0  }
0xbc: {  	s0 =	sadd.s32 $0x8F2B, s0  }
0xbd: {  	[sflag:s0] =	ssyncadd.remote.s32 $0x1  }
0xbe: {  	_ =	sfence.sel $0xFFFF  }
0xbf: {  	[dreg:$0x0] =	wrdreg $0xFFFFFFFF;
	(pc) =	sbr.abs _section_cstart, $3  }
0xc0: {  	[dreg:$0x1] =	wrdreg $0xFFFFFFFF  }
0xc1: {  	_ =	task.clear_ibuf [dreg:s7], $0x2FFFF;
	_ =	strace $0x9FFFFFFF  }
0xc2: {  	(tm) =	ssettm $0x7FFFFFFF  }
0xc3: {  	_ =	shalt  }
tec
execute0_lowered:
.L_overlay_start_1:
0x0: {  	(tag) =	ssettag $0x1  }
0x1: {  	s0 =	srdreg.scid  }
0x2: {  	s4 =	rddreg [dreg:$0x0];
	s3 =	sand.u32 $0x1, s0  }
0x3: {  	s5 =	rddreg [dreg:$0x1];
	s0 =	stileid.u32;
	s1 =	sshll.u32 s3, $0x4  }
0x4: {  	s2 =	simm.s32 $0x0;
	s9 =	simm.s32 $0x400;
	s6 =	sor.u32 s0, s1  }
0x5: {  	s10 =	simm.s32 $0x0;
	[smem:$0x7FF] =	sst s2;
	s7 =	sshrl.u32 s6, $0x3  }
0x6: {  	s8 =	sshll.u32 s0, $0x7;
	s3 =	ssub.s32 $0x2, s3;
	s7 =	smul.u32 $0x14000, s7  }
0x7: {  	s1 =	rddreg [dreg:$0x2];
	s8 =	sand.u32 $0x380, s8;
	s6 =	smul.u32 $0x4F8, s6  }
0x8: {  	_ =	strace $0x80000047;
	s31 =	sshrl.u32 s3, $0x1;
	s7 =	sor.u32 s8, s7  }
0x9: {  	s4 =	sadd.s32 s6, s4;
	s6 =	ssub.s32 s3, s31;
	s7 =	sshrl.u32 s7, $0x3  }
0xa: {  	s3 =	sadd.s32 $0x1600, s4;
	s8 =	simm.s32 $0x80;
	s4 =	sadd.s32 s5, s7  }
0xb: {  	v0 =	vimm.f32 $0.0e+00;
	v1 =	vimm.f32 $1.000000000e+00;
	s5 =	smax.u32 s6, $0x1;
	s6 =	simm.s32 $0x1;
	s7 =	simm.s32 $0x2800  }
.LBB2_1:
0xc: {  	[tilespmem:s2], [sflag:$0x1] =	stream.linear.gather [hbm4b:s3+s2], $0x27C0, $0x38;
	[tilespmem:$0x5000] =	vst v63  }
0xd: {  	_ =	swait.ge [sflag:s6], $0x27C0  }
0xe: {  	[sflag:s6] =	ssyncset.done $0x0  }
0xf: {  	s11 =	simm.s32 $0x0;
	[sflag:s6] =	ssyncadd.s32 $0xFFFFD840  }
.LBB2_2:
0x10: {  	p0 =	sne.s32 s11, $0x9FC0  }
.Ltmp0:
0x11: {  	_ = 	snop;
	(pc) =	sbr.rel @p0 .LBB2_2-.Ltmp0, $3  }
0x12: {  	_ =	sdelay $0x1  }
0x13: {  	s12 =	sshra.s32 s11, $0x2  }
0x14: {  	s11 =	sadd.s32 $0x40, s11;
	[tilespmem:s12+$0x2800] =	vst v0  }
0x15: {  	s12 =	simm.s32 $0x0;
	s11 =	simm.s32 $0x40  }
.LBB2_4:
0x16: {  	p0 =	sne.s32 s11, $0x9EC0;
	v2 =	vld [tilespmem:s12+$0x0];
	_ =	sdelay $0x3  }
.Ltmp1:
0x17: {  	(pc) =	sbr.rel @p0 .LBB2_4-.Ltmp1, $2  }
0x18: {  	_ =	sdelay $0x2  }
0x19: {  	s12 =	sshra.s32 s11, $0x2;
	s11 =	sadd.s32 $0x40, s11;
	[tilespmem:v2+s7+$0x0] =	vst.idx.add.f32.msk $0xffff, v1  }
0x1a: {  	v2 =	vld [tilespmem:s12+$0x0];
	_ =	sdelay $0x5  }
0x1b: {  	s10 =	sadd.s32 $0x1, s10  }
0x1c: {  	p0 =	sne.s32 s10, s5  }
.Ltmp2:
0x1d: {  	[tilespmem:v2+s7+$0x0] =	vst.idx.add.f32.msk $0xffff, v1;
	(pc) =	sbr.rel @p0 .LBB2_1-.Ltmp2, $4  }
0x1e: {  	[hbm4b:s4+s8] =	stream.strided.scatter [tilespmem:s7], [sflag:$0x1], $0x2800, s9, s8, $0x38;
	[tilespmem:$0x5000] =	vst v63  }
0x1f: {  	_ =	swait.ge [sflag:s6], $0x2800  }
0x20: {  	[sflag:s6] =	ssyncset.done $0x0  }
0x21: {  	[sflag:s6] =	ssyncadd.s32 $0xFFFFD800  }
0x22: {  	_ =	sfence.sel $0x180000  }
0x23: {  	[bflag:$0x0] =	sbarrier.arrive $0xFFFF  }
0x24: {  	p0 =	sne.s32 s0, $0x0;
	_ =	strace $0x90000047  }
0x25: {  	s0 =	sadd.s32 @!p0 $0x100000, s1;
	[bflag:$0x2] =	sbarrier.arrive $0xFFFF  }
0x26: {  	[sflag:s0] =	ssyncadd.tile.s32 @!p0 $0x1;
	_ =	shalt  }
.Lfunc_end2:
_tile_overlayer_lowered:
.L_overlay_start_2:
0x27: {  	(tag) =	ssettag $0x2  }
0x28: {  	s0 =	rddreg [dreg:$0x0];
	s2 =	stileid.u32  }
0x29: {  	s1 =	rddreg [dreg:$0x1];
	p0 =	sne.s32 s2, $0x0  }
0x2a: {  	s3 =	rddreg [dreg:$0x2];
	[bflag:$0x3] =	sbarrier.arrive $0xFFFF;
	s2 =	simm.s32 @!p0 $0x1C01  }
0x2b: {  	[timem:s3], [sflag:s2] =	dma.local @!p0 [hbm:s0], s1  }
0x2c: {  	s0 =	simm.s32 @!p0 $0x1  }
0x2d: {  	_ =	swait.ge @!p0 [sflag:s0], s1  }
0x2e: {  	s1 =	ssub.s32 @!p0 $0x0, s1;
	[sflag:s0] =	ssyncset.done @!p0 $0x0  }
0x2f: {  	[sflag:s0] =	ssyncadd.s32 @!p0 s1  }
0x30: {  	[bflag:$0x3] =	sbarrier.arrive $0xFFFF  }
0x31: {  	_ =	shalt  }

// kernel: kernel.9.cloned.1.call-start
scs
__scs_entry_jumppad:
0x0: {  	(pc) =	sbr.rel $0x88, $3  }
0x1: {  	(tag) =	ssettag $0x0;
	lr =	simm.s32 $0x1  }
0x2: {  	[smem:$0x3F9A] =	sst lr;
	_ =	strace $0xD0000000  }
0x3: {  	_ = 	snop  }
0x4: {  	_ = 	snop  }
0x5: {  	_ = 	snop  }
0x6: {  	_ = 	snop  }
0x7: {  	_ = 	snop  }
__scs_overlays_trampoline_lowered:
0x8: {  	[smem:$0x3FA9] =	sst s0  }
0x9: {  	[smem:$0x3FAA] =	sst s1  }
0xa: {  	[smem:$0x3FAB] =	sst s2  }
0xb: {  	[smem:$0x3FAC] =	sst s3  }
0xc: {  	[smem:$0x3FAD] =	sst s4  }
0xd: {  	[smem:$0x3FAE] =	sst s5  }
0xe: {  	[smem:$0x3FAF] =	sst s6  }
0xf: {  	[smem:$0x3FB0] =	sst s7  }
0x10: {  	[smem:$0x3FB1] =	sst s8  }
0x11: {  	[smem:$0x3FB2] =	sst s9;
	s0 =	simm.s32 @!p0 $0x0  }
0x12: {  	s1 =	sld [smem:$0x3F98];
	s0 =	simm.s32 @p0 $0x1  }
0x13: {  	[smem:$0x3FB3] =	sst s0;
	s0 =	simm.s32 @!p1 $0x0  }
0x14: {  	s2 =	sld [smem:$0x3F97];
	s0 =	simm.s32 @p1 $0x1  }
0x15: {  	[smem:$0x3FB4] =	sst s0;
	s0 =	simm.s32 @!p2 $0x0  }
0x16: {  	s3 =	sld [smem:$0x3FDB];
	s0 =	simm.s32 @p2 $0x1  }
0x17: {  	s4 =	simm.s32 $0x1BF5;
	[smem:$0x3FB6] =	sst s0  }
0x18: {  	s0 =	sld [smem:$0x3F99];
	_ =	swait.ge [sflag:s4], $0x0  }
0x19: {  	s7 =	sld [smem:$0x3F9A]  }
0x1a: {  	s8 =	sadd.s32 $0xFFFFE003, lr  }
0x1b: {  	s9 =	sadd.s32 $0xFFFFFEF7, lr;
	s5 =	simm.s32 $0xFFFFFFFF;
	p2 =	slt.u32 s8, $0xFFFFF086  }
0x1c: {  	p1 =	slt.u32 s9, $0xF7A;
	s5 =	simm.s32 @!p2 $0x0  }
0x1d: {  	s5 =	simm.s32 @p1 $0x1;
	p0 =	seq.s32 s7, s2  }
0x1e: {  	s7 =	smul.u32 @!p0 $0xF7A, s2;
	p2 =	seq.s32 @!p0 s5, $0x0  }
0x1f: {  	s9 =	smul.u32 $0xF7A, s1;
	s8 =	simm.s32 @!p0 $0x1BF5;
	p2 =	por !p2, p0  }
0x20: {  	[sflag:s8] =	ssyncset.s32 @!p0 $0xFFFFF086;
	s6 =	sadd.s32 @!p0 s3, s7;
	s7 =	simm.s32 @!p0 $0x108  }
0x21: {  	s3 =	sadd.s32 s3, s9;
	s6 =	sadd.s32 @!p0 $0x88, s6;
	s7 =	simm.s32 @p2 $0x1082  }
0x22: {  	[simem:s7], [sflag:s8] =	dma.local @!p0 [hbm:s6], $0xF7A  }
0x23: {  	s9 =	sor.u32 $0xD0000000, s2;
	s6 =	simm.s32 $0x108;
	_ =	swait.ge @!p0 [sflag:s8], $0x0  }
0x24: {  	s3 =	sadd.s32 $0x88, s3;
	s6 =	simm.s32 @!p1 $0x1082;
	[sflag:s4] =	ssyncset.s32 $0xFFFFF086  }
0x25: {  	[simem:s6], [sflag:s4] =	dma.local [hbm:s3], $0xF7A  }
0x26: {  	[smem:$0x3F9A] =	sst s1;
	(tag) =	ssettag s2;
	_ =	strace s9  }
0x27: {  	s1 =	sld [smem:$0x3FAA]  }
0x28: {  	s2 =	sld [smem:$0x3FAB]  }
0x29: {  	s4 =	sld [smem:$0x3FAD]  }
0x2a: {  	p0 =	seq.s32 s5, $0x0;
	s5 =	sld [smem:$0x3FAE]  }
0x2b: {  	s6 =	sld [smem:$0x3FAF]  }
0x2c: {  	s7 =	sld [smem:$0x3FB0]  }
0x2d: {  	s3 =	simm.s32 $0x108;
	s8 =	sld [smem:$0x3FB1]  }
0x2e: {  	s3 =	simm.s32 @!p0 $0x1082;
	s9 =	sld [smem:$0x3FB2]  }
0x2f: {  	lr =	sadd.s32 s0, s3;
	s0 =	sld [smem:$0x3FA9]  }
0x30: {  	s3 =	sld [smem:$0x3FAC]  }
0x31: {  	[smem:$0x3FB5] =	sst s10  }
0x32: {  	s10 =	sld [smem:$0x3FB3];
	_ =	sdelay $0x3  }
0x33: {  	p0 =	seq.s32 s10, $0x1;
	s10 =	sld [smem:$0x3FB5];
	_ =	sdelay $0x3  }
0x34: {  	[smem:$0x3FB5] =	sst s10  }
0x35: {  	s10 =	sld [smem:$0x3FB4];
	_ =	sdelay $0x3  }
0x36: {  	p1 =	seq.s32 s10, $0x1;
	s10 =	sld [smem:$0x3FB5];
	_ =	sdelay $0x3  }
0x37: {  	[smem:$0x3FB5] =	sst s10  }
0x38: {  	s10 =	sld [smem:$0x3FB6]  }
0x39: {  	_ = 	snop;
	(pc) =	sbr.ind lr, $3  }
0x3a: {  	_ = 	snop  }
0x3b: {  	_ = 	snop  }
0x3c: {  	p2 =	seq.s32 s10, $0x1;
	s10 =	sld [smem:$0x3FB5]  }
0x3d: {  	_ =	shalt  }
0x3e: {  	_ =	shalt  }
0x3f: {  	_ =	shalt  }
0x40: {  	_ =	shalt  }
0x41: {  	_ =	shalt  }
0x42: {  	_ =	shalt  }
0x43: {  	_ =	shalt  }
0x44: {  	_ =	shalt  }
0x45: {  	_ =	shalt  }
0x46: {  	_ =	shalt  }
0x47: {  	_ =	shalt  }
0x48: {  	_ =	shalt  }
0x49: {  	_ =	shalt  }
0x4a: {  	_ =	shalt  }
0x4b: {  	_ =	shalt  }
0x4c: {  	_ =	shalt  }
0x4d: {  	_ =	shalt  }
0x4e: {  	_ =	shalt  }
0x4f: {  	_ =	shalt  }
0x50: {  	_ =	shalt  }
0x51: {  	_ =	shalt  }
0x52: {  	_ =	shalt  }
0x53: {  	_ =	shalt  }
0x54: {  	_ =	shalt  }
0x55: {  	_ =	shalt  }
0x56: {  	_ =	shalt  }
0x57: {  	_ =	shalt  }
0x58: {  	_ =	shalt  }
0x59: {  	_ =	shalt  }
0x5a: {  	_ =	shalt  }
0x5b: {  	_ =	shalt  }
0x5c: {  	_ =	shalt  }
0x5d: {  	_ =	shalt  }
0x5e: {  	_ =	shalt  }
0x5f: {  	_ =	shalt  }
0x60: {  	_ =	shalt  }
0x61: {  	_ =	shalt  }
0x62: {  	_ =	shalt  }
0x63: {  	_ =	shalt  }
0x64: {  	_ =	shalt  }
0x65: {  	_ =	shalt  }
0x66: {  	_ =	shalt  }
0x67: {  	_ =	shalt  }
0x68: {  	_ =	shalt  }
0x69: {  	_ =	shalt  }
0x6a: {  	_ =	shalt  }
0x6b: {  	_ =	shalt  }
0x6c: {  	_ =	shalt  }
0x6d: {  	_ =	shalt  }
0x6e: {  	_ =	shalt  }
0x6f: {  	_ =	shalt  }
0x70: {  	_ =	shalt  }
0x71: {  	_ =	shalt  }
0x72: {  	_ =	shalt  }
0x73: {  	_ =	shalt  }
0x74: {  	_ =	shalt  }
0x75: {  	_ =	shalt  }
0x76: {  	_ =	shalt  }
0x77: {  	_ =	shalt  }
0x78: {  	_ =	shalt  }
0x79: {  	_ =	shalt  }
0x7a: {  	_ =	shalt  }
0x7b: {  	_ =	shalt  }
0x7c: {  	_ =	shalt  }
0x7d: {  	_ =	shalt  }
0x7e: {  	_ =	shalt  }
0x7f: {  	_ =	shalt  }
0x80: {  	_ =	shalt  }
0x81: {  	_ =	shalt  }
0x82: {  	_ =	shalt  }
0x83: {  	_ =	shalt  }
0x84: {  	_ =	shalt  }
0x85: {  	_ =	shalt  }
0x86: {  	_ =	shalt  }
0x87: {  	_ =	shalt  }
.Lfunc_end0:
.L_simem_size_0:
called_computation.1_lowered:
.L_overlay_start_0:
0x88: {  	s2 =	sld [smem:$0x3FD9]  }
0x89: {  	s3 =	sld [smem:$0x3FFE];
	_ =	sdelay $0x1  }
0x8a: {  	s1 =	srdreg.scid  }
0x8b: {  	s0 =	sand.u32 $0x1, s1  }
0x8c: {  	s16 =	sshll.u32 s0, $0xA;
	s2 =	sadd.s32 s3, s2  }
0x8d: {  	s2 =	sadd.s32 s2, s16  }
0x8e: {  	[smem:$0x3FC1] =	sst s2  }
0x8f: {  	_ = 	snop  }
0x90: {  	(tm) =	ssettm $0x1  }
0x91: {  	s17 =	sld [smem:$0x3FFB];
	_ =	sdelay $0x3  }
0x92: {  	_ =	strace s17  }
0x93: {  	s2 =	sld [smem:$0x3FFC];
	_ =	sdelay $0x3  }
0x94: {  	_ =	strace s2  }
0x95: {  	s2 =	sld [smem:$0x3FFD];
	_ =	sdelay $0x3  }
0x96: {  	_ =	strace s2  }
0x97: {  	_ =	strace $0x8FFFFFFF  }
0x98: {  	s18 =	sld [smem:$0x3FDB];
	_ =	sdelay $0x1  }
0x99: {  	s19 =	simm.s32 $_scs_section_size  }
0x9a: {  	s4 =	simm.s32 $_size__tile_overlayer_lowered;
	s5 =	simm.s32 $_tile_overlayer_lowered  }
0x9b: {  	s22 =	simm.s32 $0x1BFF;
	s21 =	sshll.u32 s5, $0x1;
	s2 =	sadd.s32 s19, s18  }
0x9c: {  	s6 =	simm.s32 $0x0;
	s20 =	sshll.u32 s4, $0x1;
	s4 =	sadd.s32 s21, s2  }
0x9d: {  	[timem:s6], [sflag:s22] =	dma.local [hbm:s4], s20  }
0x9e: {  	_ =	swait.ge [sflag:s22], s20  }
0x9f: {  	s3 =	ssub.s32 $0x0, s20;
	[sflag:s22] =	ssyncset.done $0x0  }
0xa0: {  	[sflag:s22] =	ssyncadd.s32 s3;
	_ =	sdelay $0x1  }
0xa1: {  	s23 =	simm.s32 $0x1B8B  }
0xa2: {  	_ =	swait.ge [sflag:s23], $0x1  }
0xa3: {  	[sflag:s23] =	ssyncset.done $0x0  }
0xa4: {  	s25 =	simm.s32 $0x1B8E;
	s24 =	sld [smem:$0x3FFE];
	[sflag:s23] =	ssyncadd.s32 $0xFFFFFFFF  }
0xa5: {  	s26 =	simm.s32 $execute0_lowered;
	[smem:$0x3FD2] =	sst s25  }
0xa6: {  	s4 =	sshll.u32 s26, $0x1;
	_ =	strace $0x80000049;
	[dreg:$0x1] =	wrdreg $0xFFFFFFFF  }
0xa7: {  	s28 =	simm.s32 $_size_execute0_lowered;
	s2 =	sadd.s32 s2, s4;
	[dreg:$0x0] =	wrdreg $0x0  }
0xa8: {  	s4 =	sshll.u32 s28, $0x1;
	[dreg:$0x2] =	wrdreg s2  }
0xa9: {  	[dreg:$0x3] =	wrdreg s4  }
0xaa: {  	[dreg:$0x4] =	wrdreg $0xC0  }
0xab: {  	_ =	task [dreg:s6], $0x5FFFF  }
0xac: {  	[dreg:$0x1] =	wrdreg $0xFFFFFFFF  }
0xad: {  	[dreg:$0x0] =	wrdreg $0x60  }
0xae: {  	[dreg:$0x2] =	wrdreg s24  }
0xaf: {  	[dreg:$0x3] =	wrdreg $0xB2000  }
0xb0: {  	[dreg:$0x4] =	wrdreg $0x9  }
0xb1: {  	_ =	task.clear_ibuf [dreg:s6], $0x5FFFF;
	_ =	strace $0x90000049  }
0xb2: {  	s29 =	simm.s32 $0x9;
	_ =	strace $0x8000004B  }
0xb3: {  	_ =	swait.ge [sflag:s29], $0x1  }
0xb4: {  	[sflag:s29] =	ssyncadd.s32 $0xFFFFFFFF  }
0xb5: {  	_ =	strace $0x9000004B  }
0xb6: {  	_ =	sfence  }
0xb7: {  	s30 =	sld [smem:$0x0];
	_ =	sdelay $0x2  }
0xb8: {  	s31 =	sshll.u32 s1, $0xD;
	s1 =	sshrl.u32 s1, $0x2  }
0xb9: {  	s3 =	sand.u32 $0x4000, s31;
	s1 =	sadd.s32 s1, s30  }
0xba: {  	s0 =	sor.u32 s3, s0;
	s1 =	sshll.u32 s1, $0x11  }
0xbb: {  	s0 =	sor.u32 s1, s0  }
0xbc: {  	s0 =	sadd.s32 $0x8F2B, s0  }
0xbd: {  	[sflag:s0] =	ssyncadd.remote.s32 $0x1  }
0xbe: {  	_ =	sfence.sel $0xFFFF  }
0xbf: {  	[dreg:$0x0] =	wrdreg $0xFFFFFFFF;
	(pc) =	sbr.abs _section_cstart, $3  }
0xc0: {  	[dreg:$0x1] =	wrdreg $0xFFFFFFFF  }
0xc1: {  	_ =	task.clear_ibuf [dreg:s6], $0x2FFFF;
	_ =	strace $0x9FFFFFFF  }
0xc2: {  	(tm) =	ssettm $0x7FFFFFFF  }
0xc3: {  	_ =	shalt  }
tec
execute0_lowered:
.L_overlay_start_1:
0x0: {  	(tag) =	ssettag $0x1  }
0x1: {  	s4 =	rddreg [dreg:$0x0]  }
0x2: {  	s0 =	stileid.u32;
	s1 =	srdreg.scid  }
0x3: {  	s2 =	rddreg [dreg:$0x1];
	s3 =	simm.s32 $0x0;
	s13 =	simm.s32 $0x60  }
0x4: {  	s14 =	simm.s32 $0x5000;
	s15 =	simm.s32 $0x5200;
	s16 =	simm.s32 $0x5080  }
0x5: {  	s17 =	simm.s32 $0x8200;
	s18 =	simm.s32 $0x1;
	s19 =	simm.s32 $0x5100  }
0x6: {  	s20 =	simm.s32 $0x2;
	s21 =	simm.s32 $0x5180;
	s5 =	smul.u32 $0x4F8, s0  }
0x7: {  	s6 =	sand.u32 $0x1, s1;
	s1 =	rddreg [dreg:$0x2];
	s8 =	smul.u32 $0x50000, s0  }
0x8: {  	[smem:$0x7FF] =	sst s3;
	s22 =	smul.u32 $0x2800, s0;
	s11 =	sshll.u32 s0, $0x6  }
0x9: {  	s7 =	smul.u32 $0x28000, s6;
	s6 =	ssub.s32 $0x2, s6;
	_ =	strace $0x8000004A  }
0xa: {  	s11 =	sor.u32 $0x1C03, s11;
	s5 =	sadd.s32 s5, s4;
	s9 =	sshrl.u32 s6, $0x1  }
0xb: {  	s31 =	sshrl.u32 s8, $0x2;
	s8 =	simm.s32 $0x3;
	s7 =	sadd.s32 s7, s4  }
0xc: {  	s9 =	ssub.s32 s6, s9;
	s4 =	sadd.s32 $0xB600, s5;
	s5 =	sadd.s32 $0x10600, s5  }
0xd: {  	s12 =	sadd.s32 s31, s2;
	s6 =	sadd.s32 $0x15600, s7;
	s23 =	sadd.s32 $0x65600, s7  }
0xe: {  	s7 =	smax.u32 s9, $0x1;
	s9 =	simm.s32 $0x2800;
	s12 =	sshrl.u32 s12, $0x3  }
0xf: {  	s10 =	sadd.s32 s22, s6;
	s22 =	sadd.s32 s22, s23;
	s23 =	simm.s32 $0x0  }
.LBB2_1:
0x10: {  	[tilespmem:s3], [sflag:$0x3] =	stream.linear.gather [hbm4b:s4+s3], $0x27C0, $0x38;
	[tilespmem:$0x1F200] =	vst v63  }
0x11: {  	_ =	swait.ge [sflag:s8], $0x27C0  }
0x12: {  	[sflag:s8] =	ssyncset.done $0x0  }
0x13: {  	[sflag:s8] =	ssyncadd.s32 $0xFFFFD840  }
0x14: {  	[tilespmem:s9], [sflag:$0x3] =	stream.linear.gather [hbm4b:s5+s3], $0x27C0, $0x38;
	[tilespmem:$0x1F200] =	vst v63  }
0x15: {  	_ =	swait.ge [sflag:s8], $0x27C0  }
0x16: {  	[sflag:s8] =	ssyncset.done $0x0  }
0x17: {  	[sflag:s8] =	ssyncadd.s32 $0xFFFFD840  }
0x18: {  	[spmem:s12], [sflag:s11] =	dma.local [hbm:s10], $0x2800  }
0x19: {  	_ =	swait.ge [sflag:s8], $0x2800  }
0x1a: {  	[sflag:s8] =	ssyncset.done $0x0  }
0x1b: {  	[sflag:s8] =	ssyncadd.s32 $0xFFFFD800  }
0x1c: {  	[bflag:$0x0] =	sbarrier.arrive $0xFFFF  }
0x1d: {  	v0 =	vld [tilespmem:$0x0];
	_ =	sdelay $0x1  }
0x1e: {  	v1 =	vld [tilespmem:$0x2800];
	_ =	sdelay $0x1  }
0x1f: {  	v2 =	vld [tilespmem:$0x10]  }
0x20: {  	v3 =	vand.u32 $0xFFFF, v0  }
0x21: {  	v0 =	vshra.s32 v0, $0x10;
	[tilespmem:$0x5000] =	vst v3;
	v3 =	vld [tilespmem:$0x2810]  }
0x22: {  	[tilespmem:$0x5030] =	vst v0;
	v0 =	vand.u32 $0xFFFF, v1  }
0x23: {  	[tilespmem:$0x5100] =	vst v0;
	v0 =	vshra.s32 v1, $0x10;
	v1 =	vld [tilespmem:$0x20]  }
0x24: {  	[tilespmem:$0x5130] =	vst v0;
	v0 =	vand.u32 $0xFFFF, v2  }
0x25: {  	[tilespmem:$0x5010] =	vst v0;
	v0 =	vshra.s32 v2, $0x10;
	v2 =	vld [tilespmem:$0x2820]  }
0x26: {  	[tilespmem:$0x5040] =	vst v0;
	v0 =	vand.u32 $0xFFFF, v3  }
0x27: {  	[tilespmem:$0x5110] =	vst v0;
	v0 =	vshra.s32 v3, $0x10  }
0x28: {  	[tilespmem:$0x5140] =	vst v0;
	v0 =	vand.u32 $0xFFFF, v1  }
0x29: {  	[tilespmem:$0x5020] =	vst v0;
	v0 =	vshra.s32 v1, $0x10  }
0x2a: {  	[tilespmem:$0x5050] =	vst v0;
	v0 =	vand.u32 $0xFFFF, v2  }
0x2b: {  	[tilespmem:$0x5120] =	vst v0;
	v0 =	vshra.s32 v2, $0x10  }
0x2c: {  	s24 =	simm.s32 $0x0;
	[tilespmem:$0x5150] =	vst v0  }
0x2d: {  	[tilespmem:s15], [sflag:$0x1] =	stream.indirect.gather [hbm4b:s6+s13], $0x80, s14, s13, $0xb8;
	[tilespmem:$0x1F200] =	vst v63  }
0x2e: {  	v0 =	vld [tilespmem:s24+$0x30];
	_ =	sdelay $0x4  }
0x2f: {  	v1 =	vand.u32 $0xFFFF, v0  }
0x30: {  	v0 =	vshra.s32 v0, $0x10;
	[tilespmem:$0x5080] =	vst v1  }
0x31: {  	[tilespmem:$0x50B0] =	vst v0  }
0x32: {  	v0 =	vld [tilespmem:s24+$0x2830];
	_ =	sdelay $0x4  }
0x33: {  	v1 =	vand.u32 $0xFFFF, v0  }
0x34: {  	v0 =	vshra.s32 v0, $0x10;
	[tilespmem:$0x5180] =	vst v1  }
0x35: {  	[tilespmem:$0x51B0] =	vst v0  }
0x36: {  	v0 =	vld [tilespmem:s24+$0x40];
	_ =	sdelay $0x4  }
0x37: {  	v1 =	vand.u32 $0xFFFF, v0  }
0x38: {  	v0 =	vshra.s32 v0, $0x10;
	[tilespmem:$0x5090] =	vst v1  }
0x39: {  	[tilespmem:$0x50C0] =	vst v0  }
0x3a: {  	v0 =	vld [tilespmem:s24+$0x2840];
	_ =	sdelay $0x4  }
0x3b: {  	v1 =	vand.u32 $0xFFFF, v0  }
0x3c: {  	v0 =	vshra.s32 v0, $0x10;
	[tilespmem:$0x5190] =	vst v1  }
0x3d: {  	[tilespmem:$0x51C0] =	vst v0  }
0x3e: {  	v0 =	vld [tilespmem:s24+$0x50];
	_ =	sdelay $0x4  }
0x3f: {  	v1 =	vand.u32 $0xFFFF, v0  }
0x40: {  	v0 =	vshra.s32 v0, $0x10;
	[tilespmem:$0x50A0] =	vst v1  }
0x41: {  	[tilespmem:$0x50D0] =	vst v0  }
0x42: {  	v0 =	vld [tilespmem:s24+$0x2850];
	_ =	sdelay $0x4  }
0x43: {  	v1 =	vand.u32 $0xFFFF, v0  }
0x44: {  	v0 =	vshra.s32 v0, $0x10;
	[tilespmem:$0x51A0] =	vst v1  }
0x45: {  	[tilespmem:$0x51D0] =	vst v0  }
0x46: {  	[tilespmem:s17], [sflag:$0x2] =	stream.indirect.gather [hbm4b:s6+s13], $0x80, s16, s13, $0xb8;
	[tilespmem:$0x1F200] =	vst v63  }
0x47: {  	_ =	swait.ge [sflag:s18], $0x3000  }
0x48: {  	[sflag:s18] =	ssyncset.done $0x0  }
0x49: {  	[sflag:s18] =	ssyncadd.s32 $0xFFFFD000  }
0x4a: {  	[spmem:s2] =	stream.indirect.scatter.add.f32 [tilespmem:s15], [sflag:$0x3], $0x80, s19, s13, $0xb8;
	[tilespmem:$0x1F200] =	vst v63  }
0x4b: {  	_ =	swait.ge [sflag:s8], $0x3000  }
0x4c: {  	p1 =	por $0x0, $0x0;
	[sflag:s8] =	ssyncset.done $0x0  }
0x4d: {  	s25 =	simm.s32 @!p1 $0x0;
	[sflag:s8] =	ssyncadd.s32 $0xFFFFD000  }
0x4e: {  	v0 =	vld @!p1 [tilespmem:s25+$0x60];
	_ =	sdelay $0x4  }
0x4f: {  	v1 =	vand.u32 @!p1 $0xFFFF, v0  }
0x50: {  	v0 =	vshra.s32 @!p1 v0, $0x10;
	[tilespmem:$0x5000] =	vst @!p1 v1  }
0x51: {  	[tilespmem:$0x5030] =	vst @!p1 v0  }
0x52: {  	v0 =	vld @!p1 [tilespmem:s25+$0x2860];
	_ =	sdelay $0x4  }
0x53: {  	v1 =	vand.u32 @!p1 $0xFFFF, v0  }
0x54: {  	v0 =	vshra.s32 @!p1 v0, $0x10;
	[tilespmem:$0x5100] =	vst @!p1 v1  }
0x55: {  	[tilespmem:$0x5130] =	vst @!p1 v0  }
0x56: {  	v0 =	vld @!p1 [tilespmem:s25+$0x70];
	_ =	sdelay $0x4  }
0x57: {  	v1 =	vand.u32 @!p1 $0xFFFF, v0  }
0x58: {  	v0 =	vshra.s32 @!p1 v0, $0x10;
	[tilespmem:$0x5010] =	vst @!p1 v1  }
0x59: {  	[tilespmem:$0x5040] =	vst @!p1 v0  }
0x5a: {  	v0 =	vld @!p1 [tilespmem:s25+$0x2870];
	_ =	sdelay $0x4  }
0x5b: {  	v1 =	vand.u32 @!p1 $0xFFFF, v0  }
0x5c: {  	v0 =	vshra.s32 @!p1 v0, $0x10;
	[tilespmem:$0x5110] =	vst @!p1 v1  }
0x5d: {  	[tilespmem:$0x5140] =	vst @!p1 v0  }
0x5e: {  	v0 =	vld @!p1 [tilespmem:s25+$0x80];
	_ =	sdelay $0x4  }
0x5f: {  	v1 =	vand.u32 @!p1 $0xFFFF, v0  }
0x60: {  	v0 =	vshra.s32 @!p1 v0, $0x10;
	[tilespmem:$0x5020] =	vst @!p1 v1  }
0x61: {  	s26 =	simm.s32 @!p1 $0x60;
	[tilespmem:$0x5050] =	vst @!p1 v0  }
0x62: {  	s28 =	simm.s32 @!p1 $0x5000;
	s29 =	simm.s32 @!p1 $0x5200;
	s24 =	simm.s32 $0x180;
	v0 =	vld @!p1 [tilespmem:s25+$0x2880]  }
.LBB2_2:
0x63: {  	_ =	sdelay $0x1  }
0x64: {  	s25 =	smov.u32 s24;
	s24 =	sadd.s32 $0x180, s24  }
0x65: {  	p0 =	sne.s32 s24, $0x9F00  }
0x66: {  	v1 =	vand.u32 @!p1 $0xFFFF, v0;
	v0 =	vshra.s32 @!p1 v0, $0x10  }
0x67: {  	[tilespmem:$0x5120] =	vst @!p1 v1  }
0x68: {  	[tilespmem:$0x5150] =	vst @!p1 v0  }
0x69: {  	[tilespmem:s29], [sflag:$0x1] =	stream.indirect.gather @!p1 [hbm4b:s6+s26], $0x80, s28, s26, $0xb8;
	[tilespmem:$0x1F200] =	vst v63  }
0x6a: {  	_ =	swait.ge [sflag:s20], $0x3000  }
0x6b: {  	[sflag:s20] =	ssyncset.done $0x0  }
0x6c: {  	[sflag:s20] =	ssyncadd.s32 $0xFFFFD000  }
0x6d: {  	[spmem:s2] =	stream.indirect.scatter.add.f32 [tilespmem:s17], [sflag:$0x3], $0x80, s21, s13, $0xb8;
	[tilespmem:$0x1F200] =	vst v63  }
0x6e: {  	_ =	swait.ge [sflag:s8], $0x3000  }
0x6f: {  	[sflag:s8] =	ssyncset.done $0x0  }
0x70: {  	s26 =	sshra.s32 s25, $0x2;
	[sflag:s8] =	ssyncadd.s32 $0xFFFFD000  }
0x71: {  	v0 =	vld [tilespmem:s26+$0x30];
	_ =	sdelay $0x4  }
0x72: {  	v1 =	vand.u32 $0xFFFF, v0;
	v0 =	vshra.s32 v0, $0x10  }
0x73: {  	[tilespmem:$0x5080] =	vst v1  }
0x74: {  	[tilespmem:$0x50B0] =	vst v0  }
0x75: {  	v0 =	vld [tilespmem:s26+$0x2830];
	_ =	sdelay $0x4  }
0x76: {  	v1 =	vand.u32 $0xFFFF, v0;
	v0 =	vshra.s32 v0, $0x10  }
0x77: {  	[tilespmem:$0x5180] =	vst v1  }
0x78: {  	[tilespmem:$0x51B0] =	vst v0  }
0x79: {  	v0 =	vld [tilespmem:s26+$0x40];
	_ =	sdelay $0x4  }
0x7a: {  	v1 =	vand.u32 $0xFFFF, v0;
	v0 =	vshra.s32 v0, $0x10  }
0x7b: {  	[tilespmem:$0x5090] =	vst v1  }
0x7c: {  	[tilespmem:$0x50C0] =	vst v0  }
0x7d: {  	v0 =	vld [tilespmem:s26+$0x2840];
	_ =	sdelay $0x4  }
0x7e: {  	v1 =	vand.u32 $0xFFFF, v0;
	v0 =	vshra.s32 v0, $0x10  }
0x7f: {  	[tilespmem:$0x5190] =	vst v1  }
0x80: {  	[tilespmem:$0x51C0] =	vst v0  }
0x81: {  	v0 =	vld [tilespmem:s26+$0x50];
	_ =	sdelay $0x4  }
0x82: {  	v1 =	vand.u32 $0xFFFF, v0;
	v0 =	vshra.s32 v0, $0x10  }
0x83: {  	[tilespmem:$0x50A0] =	vst v1  }
0x84: {  	[tilespmem:$0x50D0] =	vst v0  }
0x85: {  	v0 =	vld [tilespmem:s26+$0x2850];
	_ =	sdelay $0x4  }
0x86: {  	v1 =	vand.u32 $0xFFFF, v0;
	v0 =	vshra.s32 v0, $0x10  }
0x87: {  	[tilespmem:$0x51A0] =	vst v1  }
0x88: {  	p1 =	seq.s32 s25, $0x9D80;
	[tilespmem:$0x51D0] =	vst v0  }
0x89: {  	[tilespmem:s17], [sflag:$0x2] =	stream.indirect.gather [hbm4b:s6+s13], $0x80, s16, s13, $0xb8;
	[tilespmem:$0x1F200] =	vst v63  }
0x8a: {  	s25 =	sshra.s32 @!p1 s25, $0x2;
	_ =	swait.ge [sflag:s18], $0x3000  }
0x8b: {  	[sflag:s18] =	ssyncset.done $0x0  }
0x8c: {  	[sflag:s18] =	ssyncadd.s32 $0xFFFFD000  }
0x8d: {  	[spmem:s2] =	stream.indirect.scatter.add.f32 [tilespmem:s15], [sflag:$0x3], $0x80, s19, s13, $0xb8;
	[tilespmem:$0x1F200] =	vst v63  }
0x8e: {  	_ =	swait.ge [sflag:s8], $0x3000  }
0x8f: {  	[sflag:s8] =	ssyncset.done $0x0  }
0x90: {  	[sflag:s8] =	ssyncadd.s32 $0xFFFFD000  }
0x91: {  	v0 =	vld @!p1 [tilespmem:s25+$0x60];
	_ =	sdelay $0x4  }
0x92: {  	v1 =	vand.u32 @!p1 $0xFFFF, v0;
	v0 =	vshra.s32 @!p1 v0, $0x10  }
0x93: {  	[tilespmem:$0x5000] =	vst @!p1 v1  }
0x94: {  	[tilespmem:$0x5030] =	vst @!p1 v0  }
0x95: {  	v0 =	vld @!p1 [tilespmem:s25+$0x2860];
	_ =	sdelay $0x4  }
0x96: {  	v1 =	vand.u32 @!p1 $0xFFFF, v0;
	v0 =	vshra.s32 @!p1 v0, $0x10  }
0x97: {  	[tilespmem:$0x5100] =	vst @!p1 v1  }
0x98: {  	[tilespmem:$0x5130] =	vst @!p1 v0  }
0x99: {  	v0 =	vld @!p1 [tilespmem:s25+$0x70];
	_ =	sdelay $0x4  }
0x9a: {  	v1 =	vand.u32 @!p1 $0xFFFF, v0;
	v0 =	vshra.s32 @!p1 v0, $0x10  }
0x9b: {  	[tilespmem:$0x5010] =	vst @!p1 v1  }
0x9c: {  	[tilespmem:$0x5040] =	vst @!p1 v0  }
0x9d: {  	v0 =	vld @!p1 [tilespmem:s25+$0x2870];
	_ =	sdelay $0x4  }
0x9e: {  	v1 =	vand.u32 @!p1 $0xFFFF, v0;
	v0 =	vshra.s32 @!p1 v0, $0x10  }
0x9f: {  	[tilespmem:$0x5110] =	vst @!p1 v1  }
0xa0: {  	[tilespmem:$0x5140] =	vst @!p1 v0  }
0xa1: {  	v0 =	vld @!p1 [tilespmem:s25+$0x80];
	_ =	sdelay $0x2  }
0xa2: {  	s28 =	simm.s32 @!p1 $0x5000;
	s29 =	simm.s32 @!p1 $0x5200;
	s26 =	simm.s32 @!p1 $0x60  }
.Ltmp0:
0xa3: {  	(pc) =	sbr.rel @p0 .LBB2_2-.Ltmp0, $4  }
0xa4: {  	v1 =	vand.u32 @!p1 $0xFFFF, v0;
	v0 =	vshra.s32 @!p1 v0, $0x10  }
0xa5: {  	[tilespmem:$0x5020] =	vst @!p1 v1  }
0xa6: {  	[tilespmem:$0x5050] =	vst @!p1 v0  }
0xa7: {  	v0 =	vld @!p1 [tilespmem:s25+$0x2880]  }
0xa8: {  	_ =	sdelay $0x3  }
0xa9: {  	v1 =	vand.u32 @!p1 $0xFFFF, v0  }
0xaa: {  	v0 =	vshra.s32 @!p1 v0, $0x10;
	[tilespmem:$0x5120] =	vst @!p1 v1  }
0xab: {  	[tilespmem:$0x5150] =	vst @!p1 v0  }
0xac: {  	[tilespmem:s29], [sflag:$0x1] =	stream.indirect.gather @!p1 [hbm4b:s6+s26], $0x80, s28, s26, $0xb8;
	[tilespmem:$0x1F200] =	vst v63  }
0xad: {  	_ =	swait.ge [sflag:s20], $0x3000  }
0xae: {  	[sflag:s20] =	ssyncset.done $0x0  }
0xaf: {  	[sflag:s20] =	ssyncadd.s32 $0xFFFFD000  }
0xb0: {  	[spmem:s2] =	stream.indirect.scatter.add.f32 [tilespmem:s17], [sflag:$0x3], $0x80, s21, s13, $0xb8;
	[tilespmem:$0x1F200] =	vst v63  }
0xb1: {  	_ =	swait.ge [sflag:s8], $0x3000  }
0xb2: {  	s23 =	sadd.s32 $0x1, s23;
	[sflag:s8] =	ssyncset.done $0x0  }
0xb3: {  	p0 =	sne.s32 s23, s7;
	[sflag:s8] =	ssyncadd.s32 $0xFFFFD000  }
.Ltmp1:
0xb4: {  	[bflag:$0x0] =	sbarrier.arrive $0xFFFF;
	(pc) =	sbr.rel @p0 .LBB2_1-.Ltmp1, $4  }
0xb5: {  	[hbm:s22], [sflag:s11] =	dma.local [spmem:s12], $0x2800  }
0xb6: {  	_ =	swait.ge [sflag:s8], $0x2800  }
0xb7: {  	[sflag:s8] =	ssyncset.done $0x0  }
0xb8: {  	[sflag:s8] =	ssyncadd.s32 $0xFFFFD800  }
0xb9: {  	_ =	sfence.sel $0x180000  }
0xba: {  	[bflag:$0x0] =	sbarrier.arrive $0xFFFF  }
0xbb: {  	p0 =	sne.s32 s0, $0x0;
	_ =	strace $0x9000004A  }
0xbc: {  	s0 =	sadd.s32 @!p0 $0x100000, s1;
	[bflag:$0x2] =	sbarrier.arrive $0xFFFF  }
0xbd: {  	[sflag:s0] =	ssyncadd.tile.s32 @!p0 $0x1;
	_ =	shalt  }
.Lfunc_end2:
_tile_overlayer_lowered:
.L_overlay_start_2:
0xbe: {  	(tag) =	ssettag $0x2  }
0xbf: {  	s0 =	rddreg [dreg:$0x0];
	s2 =	stileid.u32  }
0xc0: {  	s1 =	rddreg [dreg:$0x1];
	p0 =	sne.s32 s2, $0x0  }
0xc1: {  	s3 =	rddreg [dreg:$0x2];
	[bflag:$0x3] =	sbarrier.arrive $0xFFFF;
	s2 =	simm.s32 @!p0 $0x1C03  }
0xc2: {  	[timem:s3], [sflag:s2] =	dma.local @!p0 [hbm:s0], s1  }
0xc3: {  	s0 =	simm.s32 @!p0 $0x3  }
0xc4: {  	_ =	swait.ge @!p0 [sflag:s0], s1  }
0xc5: {  	s1 =	ssub.s32 @!p0 $0x0, s1;
	[sflag:s0] =	ssyncset.done @!p0 $0x0  }
0xc6: {  	[sflag:s0] =	ssyncadd.s32 @!p0 s1  }
0xc7: {  	[bflag:$0x3] =	sbarrier.arrive $0xFFFF  }
0xc8: {  	_ =	shalt  }

</sc_bundles>
